<compile_context>
chip_gen: v7x
topology: tpu7x:2x2x1
jax: 0.10.2.dev20260603
libtpu: 0.0.44.dev20260713+nightly
codegen_flags: <defaults>
</compile_context>

<pallas_src>
import functools

import numpy as np

import jax
import jax.numpy as jnp
from jax import lax
from jax.experimental import pallas as pl
from jax.experimental.pallas import tpu as pltpu
from jax.experimental.pallas import tpu_sc as plsc

TOP_P = 0.9

B = 64
V = 100000
NC, NS, L = 2, 16, 16
NW = NC * NS
ROWS_PER_W = B // NW
NB = 4096
NVREG = V // L
L1_SHIFT = 20
L2_SHIFT = 8
SIGN = np.int32(-(2**31))
LOW31 = np.int32(0x7FFFFFFF)


def _monokey(l):
    b = lax.bitcast_convert_type(l, jnp.int32)
    m = lax.shift_right_arithmetic(b, 31)
    ikey = b ^ jnp.bitwise_and(m, LOW31)
    return ikey ^ SIGN


def _scan_hist(h, tlo_v, base_v):
    nch = NB // L

    def cond(st):
        j, _, found = st
        return jnp.logical_and(jnp.logical_not(found), j < nch - 1)

    def body(st):
        j, carry_v, _ = st
        v = h[pl.ds(j * L, L)]
        tot_v = carry_v + jnp.broadcast_to(jnp.sum(v), (L,))
        found = jnp.any(tot_v >= tlo_v)
        jn = jnp.where(found, j, j + 1)
        cn = jnp.where(found, carry_v, tot_v)
        return jn, cn, found

    j, carry_v, _ = lax.while_loop(cond, body, (jnp.int32(0), base_v, False))
    v = h[pl.ds(j * L, L)]
    cs = plsc.cumsum(v) + carry_v
    cross = cs >= tlo_v
    nbelow = plsc.all_reduce_population_count(jnp.logical_not(cross))
    bin_v = nbelow + j * L
    mbe_v = carry_v + jnp.broadcast_to(jnp.sum(jnp.where(cross, 0.0, v)), (L,))
    return bin_v, mbe_v


def _tile_body(logits_hbm, out_hbm, row_v, h1, h2):
    wid = lax.axis_index("c") * NS + lax.axis_index("s")

    for r in range(ROWS_PER_W):
        row = wid * ROWS_PER_W + r
        pltpu.sync_copy(logits_hbm.at[row], row_v)

        zero = jnp.zeros((L,), jnp.float32)

        @plsc.parallel_loop(0, NB // L, unroll=16)
        def zbody(i):
            h1[pl.ds(i * L, L)] = zero
            h2[pl.ds(i * L, L)] = zero

        @plsc.parallel_loop(0, NVREG, unroll=10)
        def p1(i):
            l = row_v[pl.ds(i * L, L)]
            w = jnp.exp(l)
            key = _monokey(l)
            bin1 = lax.shift_right_logical(key, L1_SHIFT)
            plsc.addupdate_scatter(h1, [bin1], w)

        def zsum(i, accs):
            return tuple(
                acc + h1[pl.ds((4 * i + k) * L, L)] for k, acc in enumerate(accs))

        z_accs = lax.fori_loop(0, NB // (4 * L), zsum, (zero,) * 4, unroll=4)
        z_v = jnp.broadcast_to(jnp.sum(sum(z_accs)), (L,))
        tlo_v = z_v - jnp.float32(TOP_P) * z_v

        b1_v, mbe1_v = _scan_hist(h1, tlo_v, jnp.zeros((L,), jnp.float32))

        @plsc.parallel_loop(0, NVREG, unroll=10)
        def p2(i):
            l = row_v[pl.ds(i * L, L)]
            w = jnp.exp(l)
            key = _monokey(l)
            bin1 = lax.shift_right_logical(key, L1_SHIFT)
            bin2 = jnp.bitwise_and(
                lax.shift_right_logical(key, L2_SHIFT), jnp.int32(NB - 1))
            plsc.addupdate_scatter(h2, [bin2], w, mask=bin1 == b1_v)

        b2_v, mbe2_v = _scan_hist(h2, tlo_v, mbe1_v)

        s_v = z_v - mbe2_v
        inv_s = jnp.float32(1.0) / s_v
        keyt_v = jnp.bitwise_or(
            lax.shift_left(b1_v, L1_SHIFT), lax.shift_left(b2_v, L2_SHIFT))
        ikeyt_v = keyt_v ^ SIGN

        @plsc.parallel_loop(0, NVREG, unroll=10)
        def p3(i):
            l = row_v[pl.ds(i * L, L)]
            w = jnp.exp(l)
            key = _monokey(l)
            keep = (key ^ SIGN) >= ikeyt_v
            row_v[pl.ds(i * L, L)] = jnp.where(keep, w * inv_s, 0.0)

        pltpu.sync_copy(row_v, out_hbm.at[row])


_mesh = plsc.VectorSubcoreMesh(core_axis_name="c", subcore_axis_name="s")

_topp = functools.partial(
    pl.kernel,
    out_type=jax.ShapeDtypeStruct((B, V), jnp.float32),
    mesh=_mesh,
    compiler_params=pltpu.CompilerParams(needs_layout_passes=False),
    scratch_types=[
        pltpu.VMEM((V,), jnp.float32),
        pltpu.VMEM((NB,), jnp.float32),
        pltpu.VMEM((NB,), jnp.float32),
    ],
)(_tile_body)


@jax.jit
def kernel(logits):
    return _topp(logits)

# --- scband reference (transcript-rebuilt; emitter-appended) ---
"""Pipeline reference for scband-roberta-to-gpt2-38585986187886 (READ-ONLY COPY).

The authoritative reference and input builder live on the scoring server;
editing this copy changes nothing except your own understanding.
"""

import jax, jax.numpy as jnp
import numpy as np

TOP_P = 0.9
TEMPERATURE = 1.0
FILTER_VALUE = -1e9


def setup_inputs(seed: int = 0) -> dict:
    key = jax.random.key(seed)
    logits = jax.random.normal(key, (64, 100000), dtype=jnp.float32)
    return {"logits": logits}


def reference(logits):
    # sample_sequence: temperature scaling of the last-step logits
    next_token_logits = logits / TEMPERATURE
    # top_k_top_p_filtering with top_p > 0.0 (nucleus filtering branch)
    sorted_indices = jnp.argsort(next_token_logits, axis=-1)[:, ::-1]  # descending
    sorted_logits = jnp.take_along_axis(next_token_logits, sorted_indices, axis=-1)
    cumulative_probs = jnp.cumsum(jax.nn.softmax(sorted_logits, axis=-1), axis=-1)
    sorted_indices_to_remove = cumulative_probs > TOP_P
    # shift right so we always keep at least the top token
    sorted_indices_to_remove = jnp.concatenate(
        [jnp.zeros_like(sorted_indices_to_remove[:, :1]), sorted_indices_to_remove[:, :-1]],
        axis=-1,
    )
    B, V = next_token_logits.shape
    rows = jnp.arange(B)[:, None]
    # scatter mask back to original vocab order
    indices_to_remove = (
        jnp.zeros((B, V), dtype=bool).at[rows, sorted_indices].set(sorted_indices_to_remove)
    )
    filtered_logits = jnp.where(indices_to_remove, FILTER_VALUE, next_token_logits)
    # distribution passed to multinomial sampling
    probs = jax.nn.softmax(filtered_logits, axis=-1)
    return probs

if __name__ == "__main__":
    import jax
    _d = setup_inputs()
    print(jax.jit(kernel)(*tuple(_d.values())))

</pallas_src>

<mosaic_0001>
#map = affine_map<(d0, d1) -> (0, 0)>
module attributes {stable_mosaic.version = 14 : i64} {
  func.func @_tile_body(%arg0: i32, %arg1: i32, %arg2: memref<64x100000xf32, #tpu.memory_space<hbm>>, %arg3: memref<64x100000xf32, #tpu.memory_space<hbm>>, %arg4: memref<100000xf32, #tpu.memory_space<vmem>>, %arg5: memref<4096xf32, #tpu.memory_space<vmem>>, %arg6: memref<4096xf32, #tpu.memory_space<vmem>>) attributes {dimension_semantics = [#tpu.dimension_semantics<core_parallel>, #tpu.dimension_semantics<subcore_parallel>], iteration_bounds = array<i64: 2, 16>, scalar_prefetch = 0 : i64, scratch_operands = 3 : i64, tpu.core_type = #tpu.core_type<sc_vector_subcore>, window_params = [{transform_indices = #map}, {transform_indices = #map}]} {
    %mul3A = arith.constant 16 : i32
    %mul3A_0 = arith.muli %arg0, %mul3A : i32
    %add3A = arith.addi %mul3A_0, %arg1 : i32
    %mul3A_1 = arith.constant 2 : i32
    %mul3A_2 = arith.muli %add3A, %mul3A_1 : i32
    %add3A_3 = arith.constant 0 : i32
    %add3A_4 = arith.addi %mul3A_2, %add3A_3 : i32
    "tpu.region"() ({
      %run_scoped3A = tpu.sem_alloc : memref<!tpu.dma_semaphore, #tpu.memory_space<semaphore_mem>>
      %dma_start3A = arith.constant 0 : i32
      %dma_start3A_206 = tpu.memref_slice %arg2[%add3A_4, %dma_start3A] : memref<64x100000xf32, #tpu.memory_space<hbm>> -> memref<1x100000xf32, #tpu.memory_space<hbm>>
      %dma_start3A_207 = tpu.memref_squeeze %dma_start3A_206 : memref<1x100000xf32, #tpu.memory_space<hbm>> -> memref<100000xf32, #tpu.memory_space<hbm>>
      %dma_start3A_208 = arith.constant 0 : i32
      %dma_start3A_209 = tpu.memref_slice %arg2[%add3A_4, %dma_start3A_208] : memref<64x100000xf32, #tpu.memory_space<hbm>> -> memref<1x100000xf32, #tpu.memory_space<hbm>>
      %dma_start3A_210 = tpu.memref_squeeze %dma_start3A_209 : memref<1x100000xf32, #tpu.memory_space<hbm>> -> memref<100000xf32, #tpu.memory_space<hbm>>
      tpu.enqueue_dma source(%dma_start3A_210 : memref<100000xf32, #tpu.memory_space<hbm>>) target(%arg4 : memref<100000xf32, #tpu.memory_space<vmem>>) target_semaphore(%run_scoped3A : memref<!tpu.dma_semaphore, #tpu.memory_space<semaphore_mem>>)
      %dma_wait3A = arith.constant 0 : i32
      %dma_wait3A_211 = tpu.memref_slice %arg2[%add3A_4, %dma_wait3A] : memref<64x100000xf32, #tpu.memory_space<hbm>> -> memref<1x100000xf32, #tpu.memory_space<hbm>>
      %dma_wait3A_212 = tpu.memref_squeeze %dma_wait3A_211 : memref<1x100000xf32, #tpu.memory_space<hbm>> -> memref<100000xf32, #tpu.memory_space<hbm>>
      %dma_wait3A_213 = arith.constant 0 : i32
      %dma_wait3A_214 = tpu.memref_slice %arg2[%add3A_4, %dma_wait3A_213] : memref<64x100000xf32, #tpu.memory_space<hbm>> -> memref<1x100000xf32, #tpu.memory_space<hbm>>
      %dma_wait3A_215 = tpu.memref_squeeze %dma_wait3A_214 : memref<1x100000xf32, #tpu.memory_space<hbm>> -> memref<100000xf32, #tpu.memory_space<hbm>>
      tpu.wait_dma2 semaphore(%run_scoped3A : memref<!tpu.dma_semaphore, #tpu.memory_space<semaphore_mem>>) src(%dma_wait3A_215 : memref<100000xf32, #tpu.memory_space<hbm>>) dst(%arg4 : memref<100000xf32, #tpu.memory_space<vmem>>)
      tpu.yield
    }) : () -> ()
    %broadcast_in_dim3A = arith.constant 0.000000e+00 : f32
    %broadcast_in_dim3A_5 = vector.broadcast %broadcast_in_dim3A : f32 to vector<16xf32>
    %parallel_loop3A = arith.constant 0 : i32
    %parallel_loop3A_6 = arith.constant 256 : i32
    %parallel_loop3A_7 = arith.constant 1 : i32
    scf.for %parallel_loop3A_206 = %parallel_loop3A to %parallel_loop3A_6 step %parallel_loop3A_7  : i32 {
      %parallel_loop3A_207 = arith.constant 16 : i32
      %parallel_loop3A_208 = arith.muli %parallel_loop3A_206, %parallel_loop3A_207 : i32
      %parallel_loop3A_209 = arith.index_cast %parallel_loop3A_208 : i32 to index
      %parallel_loop3A_210 = tpu.vector_load %arg5[%parallel_loop3A_209] {strides = array<i32>} : memref<4096xf32, #tpu.memory_space<vmem>>, vector<16xf32>,
      tpu.vector_store %arg5[%parallel_loop3A_209], %broadcast_in_dim3A_5 {strides = array<i32>} : memref<4096xf32, #tpu.memory_space<vmem>>, vector<16xf32>,
      %parallel_loop3A_211 = arith.constant 16 : i32
      %parallel_loop3A_212 = arith.muli %parallel_loop3A_206, %parallel_loop3A_211 : i32
      %parallel_loop3A_213 = arith.index_cast %parallel_loop3A_212 : i32 to index
      %parallel_loop3A_214 = tpu.vector_load %arg6[%parallel_loop3A_213] {strides = array<i32>} : memref<4096xf32, #tpu.memory_space<vmem>>, vector<16xf32>,
      tpu.vector_store %arg6[%parallel_loop3A_213], %broadcast_in_dim3A_5 {strides = array<i32>} : memref<4096xf32, #tpu.memory_space<vmem>>, vector<16xf32>,
    } {sc.loop_unroll_factor = 16 : i64, sc.parallel_access}
    %parallel_loop3A_8 = arith.constant 0 : i32
    %parallel_loop3A_9 = arith.constant 6250 : i32
    %parallel_loop3A_10 = arith.constant 1 : i32
    scf.for %parallel_loop3A_206 = %parallel_loop3A_8 to %parallel_loop3A_9 step %parallel_loop3A_10  : i32 {
      %parallel_loop3A_207 = arith.constant 16 : i32
      %parallel_loop3A_208 = arith.muli %parallel_loop3A_206, %parallel_loop3A_207 : i32
      %parallel_loop3A_209 = arith.index_cast %parallel_loop3A_208 : i32 to index
      %parallel_loop3A_210 = tpu.vector_load %arg4[%parallel_loop3A_209] {strides = array<i32>} : memref<100000xf32, #tpu.memory_space<vmem>>, vector<16xf32>,
      %parallel_loop3A_211 = math.exp %parallel_loop3A_210 : vector<16xf32>
      %parallel_loop3A_212 = tpu.bitcast %parallel_loop3A_210 : vector<16xf32> -> vector<16xi32>
      %parallel_loop3A_213 = arith.constant 31 : i32
      %parallel_loop3A_214 = vector.broadcast %parallel_loop3A_213 : i32 to vector<16xi32>
      %parallel_loop3A_215 = arith.shrsi %parallel_loop3A_212, %parallel_loop3A_214 : vector<16xi32>
      %parallel_loop3A_216 = arith.constant 2147483647 : i32
      %parallel_loop3A_217 = vector.broadcast %parallel_loop3A_216 : i32 to vector<16xi32>
      %parallel_loop3A_218 = arith.andi %parallel_loop3A_215, %parallel_loop3A_217 : vector<16xi32>
      %parallel_loop3A_219 = arith.xori %parallel_loop3A_212, %parallel_loop3A_218 : vector<16xi32>
      %parallel_loop3A_220 = arith.constant -2147483648 : i32
      %parallel_loop3A_221 = vector.broadcast %parallel_loop3A_220 : i32 to vector<16xi32>
      %parallel_loop3A_222 = arith.xori %parallel_loop3A_219, %parallel_loop3A_221 : vector<16xi32>
      %parallel_loop3A_223 = arith.constant 20 : i32
      %parallel_loop3A_224 = vector.broadcast %parallel_loop3A_223 : i32 to vector<16xi32>
      %parallel_loop3A_225 = arith.shrui %parallel_loop3A_222, %parallel_loop3A_224 : vector<16xi32>
      tpu.vector_store_idx %arg5[%parallel_loop3A_225], %parallel_loop3A_211 {add = true} : memref<4096xf32, #tpu.memory_space<vmem>>[vector<16xi32>], vector<16xf32>,
    } {sc.loop_unroll_factor = 10 : i64, sc.parallel_access}
    %scan3A = arith.constant 0 : i32
    %scan3A_11 = arith.constant 64 : i32
    %scan3A_12 = arith.addi %scan3A, %scan3A_11 : i32
    %scan3A_13 = arith.constant 4 : i32
    %scan3A_14:4 = scf.for %scan3A_206 = %scan3A to %scan3A_12 step %scan3A_13 iter_args(%scan3A_207 = %broadcast_in_dim3A_5, %scan3A_208 = %broadcast_in_dim3A_5, %scan3A_209 = %broadcast_in_dim3A_5, %scan3A_210 = %broadcast_in_dim3A_5) -> (vector<16xf32>, vector<16xf32>, vector<16xf32>, vector<16xf32>)  : i32 {
      %mul3A_211 = arith.constant 4 : i32
      %mul3A_212 = arith.muli %mul3A_211, %scan3A_206 : i32
      %add3A_213 = arith.constant 0 : i32
      %add3A_214 = arith.addi %mul3A_212, %add3A_213 : i32
      %mul3A_215 = arith.constant 16 : i32
      %mul3A_216 = arith.muli %add3A_214, %mul3A_215 : i32
      %get3A_217 = arith.index_cast %mul3A_216 : i32 to index
      %get3A_218 = tpu.vector_load %arg5[%get3A_217] {strides = array<i32>} : memref<4096xf32, #tpu.memory_space<vmem>>, vector<16xf32>,
      %add3A_219 = arith.addf %scan3A_207, %get3A_218 : vector<16xf32>
      %mul3A_220 = arith.constant 4 : i32
      %mul3A_221 = arith.muli %mul3A_220, %scan3A_206 : i32
      %add3A_222 = arith.constant 1 : i32
      %add3A_223 = arith.addi %mul3A_221, %add3A_222 : i32
      %mul3A_224 = arith.constant 16 : i32
      %mul3A_225 = arith.muli %add3A_223, %mul3A_224 : i32
      %get3A_226 = arith.index_cast %mul3A_225 : i32 to index
      %get3A_227 = tpu.vector_load %arg5[%get3A_226] {strides = array<i32>} : memref<4096xf32, #tpu.memory_space<vmem>>, vector<16xf32>,
      %add3A_228 = arith.addf %scan3A_208, %get3A_227 : vector<16xf32>
      %mul3A_229 = arith.constant 4 : i32
      %mul3A_230 = arith.muli %mul3A_229, %scan3A_206 : i32
      %add3A_231 = arith.constant 2 : i32
      %add3A_232 = arith.addi %mul3A_230, %add3A_231 : i32
      %mul3A_233 = arith.constant 16 : i32
      %mul3A_234 = arith.muli %add3A_232, %mul3A_233 : i32
      %get3A_235 = arith.index_cast %mul3A_234 : i32 to index
      %get3A_236 = tpu.vector_load %arg5[%get3A_235] {strides = array<i32>} : memref<4096xf32, #tpu.memory_space<vmem>>, vector<16xf32>,
      %add3A_237 = arith.addf %scan3A_209, %get3A_236 : vector<16xf32>
      %mul3A_238 = arith.constant 4 : i32
      %mul3A_239 = arith.muli %mul3A_238, %scan3A_206 : i32
      %add3A_240 = arith.constant 3 : i32
      %add3A_241 = arith.addi %mul3A_239, %add3A_240 : i32
      %mul3A_242 = arith.constant 16 : i32
      %mul3A_243 = arith.muli %add3A_241, %mul3A_242 : i32
      %get3A_244 = arith.index_cast %mul3A_243 : i32 to index
      %get3A_245 = tpu.vector_load %arg5[%get3A_244] {strides = array<i32>} : memref<4096xf32, #tpu.memory_space<vmem>>, vector<16xf32>,
      %add3A_246 = arith.addf %scan3A_210, %get3A_245 : vector<16xf32>
      %scan3A_247 = arith.constant 1 : i32
      %scan3A_248 = arith.addi %scan3A_206, %scan3A_247 : i32
      %mul3A_249 = arith.constant 4 : i32
      %mul3A_250 = arith.muli %mul3A_249, %scan3A_248 : i32
      %add3A_251 = arith.constant 0 : i32
      %add3A_252 = arith.addi %mul3A_250, %add3A_251 : i32
      %mul3A_253 = arith.constant 16 : i32
      %mul3A_254 = arith.muli %add3A_252, %mul3A_253 : i32
      %get3A_255 = arith.index_cast %mul3A_254 : i32 to index
      %get3A_256 = tpu.vector_load %arg5[%get3A_255] {strides = array<i32>} : memref<4096xf32, #tpu.memory_space<vmem>>, vector<16xf32>,
      %add3A_257 = arith.addf %add3A_219, %get3A_256 : vector<16xf32>
      %mul3A_258 = arith.constant 4 : i32
      %mul3A_259 = arith.muli %mul3A_258, %scan3A_248 : i32
      %add3A_260 = arith.constant 1 : i32
      %add3A_261 = arith.addi %mul3A_259, %add3A_260 : i32
      %mul3A_262 = arith.constant 16 : i32
      %mul3A_263 = arith.muli %add3A_261, %mul3A_262 : i32
      %get3A_264 = arith.index_cast %mul3A_263 : i32 to index
      %get3A_265 = tpu.vector_load %arg5[%get3A_264] {strides = array<i32>} : memref<4096xf32, #tpu.memory_space<vmem>>, vector<16xf32>,
      %add3A_266 = arith.addf %add3A_228, %get3A_265 : vector<16xf32>
      %mul3A_267 = arith.constant 4 : i32
      %mul3A_268 = arith.muli %mul3A_267, %scan3A_248 : i32
      %add3A_269 = arith.constant 2 : i32
      %add3A_270 = arith.addi %mul3A_268, %add3A_269 : i32
      %mul3A_271 = arith.constant 16 : i32
      %mul3A_272 = arith.muli %add3A_270, %mul3A_271 : i32
      %get3A_273 = arith.index_cast %mul3A_272 : i32 to index
      %get3A_274 = tpu.vector_load %arg5[%get3A_273] {strides = array<i32>} : memref<4096xf32, #tpu.memory_space<vmem>>, vector<16xf32>,
      %add3A_275 = arith.addf %add3A_237, %get3A_274 : vector<16xf32>
      %mul3A_276 = arith.constant 4 : i32
      %mul3A_277 = arith.muli %mul3A_276, %scan3A_248 : i32
      %add3A_278 = arith.constant 3 : i32
      %add3A_279 = arith.addi %mul3A_277, %add3A_278 : i32
      %mul3A_280 = arith.constant 16 : i32
      %mul3A_281 = arith.muli %add3A_279, %mul3A_280 : i32
      %get3A_282 = arith.index_cast %mul3A_281 : i32 to index
      %get3A_283 = tpu.vector_load %arg5[%get3A_282] {strides = array<i32>} : memref<4096xf32, #tpu.memory_space<vmem>>, vector<16xf32>,
      %add3A_284 = arith.addf %add3A_246, %get3A_283 : vector<16xf32>
      %scan3A_285 = arith.constant 2 : i32
      %scan3A_286 = arith.addi %scan3A_206, %scan3A_285 : i32
      %mul3A_287 = arith.constant 4 : i32
      %mul3A_288 = arith.muli %mul3A_287, %scan3A_286 : i32
      %add3A_289 = arith.constant 0 : i32
      %add3A_290 = arith.addi %mul3A_288, %add3A_289 : i32
      %mul3A_291 = arith.constant 16 : i32
      %mul3A_292 = arith.muli %add3A_290, %mul3A_291 : i32
      %get3A_293 = arith.index_cast %mul3A_292 : i32 to index
      %get3A_294 = tpu.vector_load %arg5[%get3A_293] {strides = array<i32>} : memref<4096xf32, #tpu.memory_space<vmem>>, vector<16xf32>,
      %add3A_295 = arith.addf %add3A_257, %get3A_294 : vector<16xf32>
      %mul3A_296 = arith.constant 4 : i32
      %mul3A_297 = arith.muli %mul3A_296, %scan3A_286 : i32
      %add3A_298 = arith.constant 1 : i32
      %add3A_299 = arith.addi %mul3A_297, %add3A_298 : i32
      %mul3A_300 = arith.constant 16 : i32
      %mul3A_301 = arith.muli %add3A_299, %mul3A_300 : i32
      %get3A_302 = arith.index_cast %mul3A_301 : i32 to index
      %get3A_303 = tpu.vector_load %arg5[%get3A_302] {strides = array<i32>} : memref<4096xf32, #tpu.memory_space<vmem>>, vector<16xf32>,
      %add3A_304 = arith.addf %add3A_266, %get3A_303 : vector<16xf32>
      %mul3A_305 = arith.constant 4 : i32
      %mul3A_306 = arith.muli %mul3A_305, %scan3A_286 : i32
      %add3A_307 = arith.constant 2 : i32
      %add3A_308 = arith.addi %mul3A_306, %add3A_307 : i32
      %mul3A_309 = arith.constant 16 : i32
      %mul3A_310 = arith.muli %add3A_308, %mul3A_309 : i32
      %get3A_311 = arith.index_cast %mul3A_310 : i32 to index
      %get3A_312 = tpu.vector_load %arg5[%get3A_311] {strides = array<i32>} : memref<4096xf32, #tpu.memory_space<vmem>>, vector<16xf32>,
      %add3A_313 = arith.addf %add3A_275, %get3A_312 : vector<16xf32>
      %mul3A_314 = arith.constant 4 : i32
      %mul3A_315 = arith.muli %mul3A_314, %scan3A_286 : i32
      %add3A_316 = arith.constant 3 : i32
      %add3A_317 = arith.addi %mul3A_315, %add3A_316 : i32
      %mul3A_318 = arith.constant 16 : i32
      %mul3A_319 = arith.muli %add3A_317, %mul3A_318 : i32
      %get3A_320 = arith.index_cast %mul3A_319 : i32 to index
      %get3A_321 = tpu.vector_load %arg5[%get3A_320] {strides = array<i32>} : memref<4096xf32, #tpu.memory_space<vmem>>, vector<16xf32>,
      %add3A_322 = arith.addf %add3A_284, %get3A_321 : vector<16xf32>
      %scan3A_323 = arith.constant 3 : i32
      %scan3A_324 = arith.addi %scan3A_206, %scan3A_323 : i32
      %mul3A_325 = arith.constant 4 : i32
      %mul3A_326 = arith.muli %mul3A_325, %scan3A_324 : i32
      %add3A_327 = arith.constant 0 : i32
      %add3A_328 = arith.addi %mul3A_326, %add3A_327 : i32
      %mul3A_329 = arith.constant 16 : i32
      %mul3A_330 = arith.muli %add3A_328, %mul3A_329 : i32
      %get3A_331 = arith.index_cast %mul3A_330 : i32 to index
      %get3A_332 = tpu.vector_load %arg5[%get3A_331] {strides = array<i32>} : memref<4096xf32, #tpu.memory_space<vmem>>, vector<16xf32>,
      %add3A_333 = arith.addf %add3A_295, %get3A_332 : vector<16xf32>
      %mul3A_334 = arith.constant 4 : i32
      %mul3A_335 = arith.muli %mul3A_334, %scan3A_324 : i32
      %add3A_336 = arith.constant 1 : i32
      %add3A_337 = arith.addi %mul3A_335, %add3A_336 : i32
      %mul3A_338 = arith.constant 16 : i32
      %mul3A_339 = arith.muli %add3A_337, %mul3A_338 : i32
      %get3A_340 = arith.index_cast %mul3A_339 : i32 to index
      %get3A_341 = tpu.vector_load %arg5[%get3A_340] {strides = array<i32>} : memref<4096xf32, #tpu.memory_space<vmem>>, vector<16xf32>,
      %add3A_342 = arith.addf %add3A_304, %get3A_341 : vector<16xf32>
      %mul3A_343 = arith.constant 4 : i32
      %mul3A_344 = arith.muli %mul3A_343, %scan3A_324 : i32
      %add3A_345 = arith.constant 2 : i32
      %add3A_346 = arith.addi %mul3A_344, %add3A_345 : i32
      %mul3A_347 = arith.constant 16 : i32
      %mul3A_348 = arith.muli %add3A_346, %mul3A_347 : i32
      %get3A_349 = arith.index_cast %mul3A_348 : i32 to index
      %get3A_350 = tpu.vector_load %arg5[%get3A_349] {strides = array<i32>} : memref<4096xf32, #tpu.memory_space<vmem>>, vector<16xf32>,
      %add3A_351 = arith.addf %add3A_313, %get3A_350 : vector<16xf32>
      %mul3A_352 = arith.constant 4 : i32
      %mul3A_353 = arith.muli %mul3A_352, %scan3A_324 : i32
      %add3A_354 = arith.constant 3 : i32
      %add3A_355 = arith.addi %mul3A_353, %add3A_354 : i32
      %mul3A_356 = arith.constant 16 : i32
      %mul3A_357 = arith.muli %add3A_355, %mul3A_356 : i32
      %get3A_358 = arith.index_cast %mul3A_357 : i32 to index
      %get3A_359 = tpu.vector_load %arg5[%get3A_358] {strides = array<i32>} : memref<4096xf32, #tpu.memory_space<vmem>>, vector<16xf32>,
      %add3A_360 = arith.addf %add3A_322, %get3A_359 : vector<16xf32>
      scf.yield %add3A_333, %add3A_342, %add3A_351, %add3A_360 : vector<16xf32>, vector<16xf32>, vector<16xf32>, vector<16xf32>
    }
    %scan3A_15 = arith.constant 64 : i32
    %add3A_16 = arith.constant 0.000000e+00 : f32
    %add3A_17 = vector.broadcast %add3A_16 : f32 to vector<16xf32>
    %add3A_18 = arith.addf %add3A_17, %scan3A_14#0 : vector<16xf32>
    %add3A_19 = arith.addf %add3A_18, %scan3A_14#1 : vector<16xf32>
    %add3A_20 = arith.addf %add3A_19, %scan3A_14#2 : vector<16xf32>
    %add3A_21 = arith.addf %add3A_20, %scan3A_14#3 : vector<16xf32>
    %reduce_sum3A = arith.constant true
    %reduce_sum3A_22 = vector.broadcast %reduce_sum3A : i1 to vector<16xi1>
    %reduce_sum3A_23 = tpu.scan <sum>, %add3A_21 masked %reduce_sum3A_22 : vector<16xf32>, vector<16xi1> -> vector<16xf32>
    %reduce_sum3A_24 = vector.extract %reduce_sum3A_23[15] : f32 from vector<16xf32>
    %broadcast_in_dim3A_25 = vector.broadcast %reduce_sum3A_24 : f32 to vector<16xf32>
    %mul3A_26 = arith.constant 0.899999976 : f32
    %mul3A_27 = vector.broadcast %mul3A_26 : f32 to vector<16xf32>
    %mul3A_28 = arith.mulf %mul3A_27, %broadcast_in_dim3A_25 : vector<16xf32>
    %sub3A = arith.subf %broadcast_in_dim3A_25, %mul3A_28 : vector<16xf32>
    %broadcast_in_dim3A_29 = arith.constant 0.000000e+00 : f32
    %broadcast_in_dim3A_30 = vector.broadcast %broadcast_in_dim3A_29 : f32 to vector<16xf32>
    %while3A = arith.constant 0 : i32
    %while3A_31 = arith.constant false
    %while3A_32:3 = scf.while (%while3A_206 = %while3A, %while3A_207 = %broadcast_in_dim3A_30, %while3A_208 = %while3A_31) : (i32, vector<16xf32>, i1) -> (i32, vector<16xf32>, i1) {
      %not3A_209 = arith.constant true
      %not3A_210 = arith.xori %while3A_208, %not3A_209 : i1
      %lt3A = arith.constant 255 : i32
      %lt3A_211 = arith.cmpi slt, %while3A_206, %lt3A : i32
      %and3A = arith.andi %not3A_210, %lt3A_211 : i1
      scf.condition(%and3A) %while3A_206, %while3A_207, %while3A_208 : i32, vector<16xf32>, i1
    } do {
    ^bb0(%while3A_206: i32, %while3A_207: vector<16xf32>, %while3A_208: i1):
      %mul3A_209 = arith.constant 16 : i32
      %mul3A_210 = arith.muli %while3A_206, %mul3A_209 : i32
      %get3A_211 = arith.index_cast %mul3A_210 : i32 to index
      %get3A_212 = tpu.vector_load %arg5[%get3A_211] {strides = array<i32>} : memref<4096xf32, #tpu.memory_space<vmem>>, vector<16xf32>,
      %reduce_sum3A_213 = arith.constant true
      %reduce_sum3A_214 = vector.broadcast %reduce_sum3A_213 : i1 to vector<16xi1>
      %reduce_sum3A_215 = tpu.scan <sum>, %get3A_212 masked %reduce_sum3A_214 : vector<16xf32>, vector<16xi1> -> vector<16xf32>
      %reduce_sum3A_216 = vector.extract %reduce_sum3A_215[15] : f32 from vector<16xf32>
      %broadcast_in_dim3A_217 = vector.broadcast %reduce_sum3A_216 : f32 to vector<16xf32>
      %add3A_218 = arith.addf %while3A_207, %broadcast_in_dim3A_217 : vector<16xf32>
      %ge3A_219 = arith.cmpf oge, %add3A_218, %sub3A : vector<16xf32>
      %reduce_or3A = arith.constant 1.000000e+00 : f32
      %reduce_or3A_220 = arith.constant 0.000000e+00 : f32
      %reduce_or3A_221 = vector.broadcast %reduce_or3A : f32 to vector<16xf32>
      %reduce_or3A_222 = vector.broadcast %reduce_or3A_220 : f32 to vector<16xf32>
      %reduce_or3A_223 = arith.select %ge3A_219, %reduce_or3A_221, %reduce_or3A_222 : vector<16xi1>, vector<16xf32>
      %reduce_or3A_224 = arith.constant true
      %reduce_or3A_225 = vector.broadcast %reduce_or3A_224 : i1 to vector<16xi1>
      %reduce_or3A_226 = tpu.scan <max>, %reduce_or3A_223 masked %reduce_or3A_225 : vector<16xf32>, vector<16xi1> -> vector<16xf32>
      %reduce_or3A_227 = vector.extract %reduce_or3A_226[15] : f32 from vector<16xf32>
      %reduce_or3A_228 = arith.constant 0.000000e+00 : f32
      %reduce_or3A_229 = arith.cmpf ogt, %reduce_or3A_227, %reduce_or3A_228 : f32
      %add3A_230 = arith.constant 1 : i32
      %add3A_231 = arith.addi %while3A_206, %add3A_230 : i32
      %select_n3A_232 = arith.select %reduce_or3A_229, %while3A_206, %add3A_231 : i32
      %select_n3A_233 = arith.select %reduce_or3A_229, %while3A_207, %add3A_218 : vector<16xf32>
      scf.yield %select_n3A_232, %select_n3A_233, %reduce_or3A_229 : i32, vector<16xf32>, i1
    }
    %mul3A_33 = arith.constant 16 : i32
    %mul3A_34 = arith.muli %while3A_32#0, %mul3A_33 : i32
    %get3A = arith.index_cast %mul3A_34 : i32 to index
    %get3A_35 = tpu.vector_load %arg5[%get3A] {strides = array<i32>} : memref<4096xf32, #tpu.memory_space<vmem>>, vector<16xf32>,
    %broadcast_in_dim3A_36 = arith.constant true
    %broadcast_in_dim3A_37 = vector.broadcast %broadcast_in_dim3A_36 : i1 to vector<16xi1>
    %masked_cumsum3A = tpu.scan <sum>, %get3A_35 masked %broadcast_in_dim3A_37 : vector<16xf32>, vector<16xi1> -> vector<16xf32>
    %add3A_38 = arith.addf %masked_cumsum3A, %while3A_32#1 : vector<16xf32>
    %ge3A = arith.cmpf oge, %add3A_38, %sub3A : vector<16xf32>
    %not3A = arith.constant dense<true> : vector<16xi1>
    %not3A_39 = arith.xori %ge3A, %not3A : vector<16xi1>
    %all_reduce_population_count3A = tpu.all_reduce %not3A_39 {dim = 0 : i64, kind = #tpu.reduction_kind<sum>} : vector<16xi1> -> vector<16xi32>
    %mul3A_40 = arith.constant 16 : i32
    %mul3A_41 = arith.muli %while3A_32#0, %mul3A_40 : i32
    %add3A_42 = vector.broadcast %mul3A_41 : i32 to vector<16xi32>
    %add3A_43 = arith.addi %all_reduce_population_count3A, %add3A_42 : vector<16xi32>
    %jit3A = arith.constant 0.000000e+00 : f32
    %broadcast_in_dim3A_44 = vector.broadcast %jit3A : f32 to vector<16xf32>
    %select_n3A = arith.select %ge3A, %broadcast_in_dim3A_44, %get3A_35 : vector<16xi1>, vector<16xf32>
    %reduce_sum3A_45 = arith.constant true
    %reduce_sum3A_46 = vector.broadcast %reduce_sum3A_45 : i1 to vector<16xi1>
    %reduce_sum3A_47 = tpu.scan <sum>, %select_n3A masked %reduce_sum3A_46 : vector<16xf32>, vector<16xi1> -> vector<16xf32>
    %reduce_sum3A_48 = vector.extract %reduce_sum3A_47[15] : f32 from vector<16xf32>
    %broadcast_in_dim3A_49 = vector.broadcast %reduce_sum3A_48 : f32 to vector<16xf32>
    %add3A_50 = arith.addf %while3A_32#1, %broadcast_in_dim3A_49 : vector<16xf32>
    %parallel_loop3A_51 = arith.constant 0 : i32
    %parallel_loop3A_52 = arith.constant 6250 : i32
    %parallel_loop3A_53 = arith.constant 1 : i32
    scf.for %parallel_loop3A_206 = %parallel_loop3A_51 to %parallel_loop3A_52 step %parallel_loop3A_53  : i32 {
      %parallel_loop3A_207 = arith.constant 16 : i32
      %parallel_loop3A_208 = arith.muli %parallel_loop3A_206, %parallel_loop3A_207 : i32
      %parallel_loop3A_209 = arith.index_cast %parallel_loop3A_208 : i32 to index
      %parallel_loop3A_210 = tpu.vector_load %arg4[%parallel_loop3A_209] {strides = array<i32>} : memref<100000xf32, #tpu.memory_space<vmem>>, vector<16xf32>,
      %parallel_loop3A_211 = math.exp %parallel_loop3A_210 : vector<16xf32>
      %parallel_loop3A_212 = tpu.bitcast %parallel_loop3A_210 : vector<16xf32> -> vector<16xi32>
      %parallel_loop3A_213 = arith.constant 31 : i32
      %parallel_loop3A_214 = vector.broadcast %parallel_loop3A_213 : i32 to vector<16xi32>
      %parallel_loop3A_215 = arith.shrsi %parallel_loop3A_212, %parallel_loop3A_214 : vector<16xi32>
      %parallel_loop3A_216 = arith.constant 2147483647 : i32
      %parallel_loop3A_217 = vector.broadcast %parallel_loop3A_216 : i32 to vector<16xi32>
      %parallel_loop3A_218 = arith.andi %parallel_loop3A_215, %parallel_loop3A_217 : vector<16xi32>
      %parallel_loop3A_219 = arith.xori %parallel_loop3A_212, %parallel_loop3A_218 : vector<16xi32>
      %parallel_loop3A_220 = arith.constant -2147483648 : i32
      %parallel_loop3A_221 = vector.broadcast %parallel_loop3A_220 : i32 to vector<16xi32>
      %parallel_loop3A_222 = arith.xori %parallel_loop3A_219, %parallel_loop3A_221 : vector<16xi32>
      %parallel_loop3A_223 = arith.constant 20 : i32
      %parallel_loop3A_224 = vector.broadcast %parallel_loop3A_223 : i32 to vector<16xi32>
      %parallel_loop3A_225 = arith.shrui %parallel_loop3A_222, %parallel_loop3A_224 : vector<16xi32>
      %parallel_loop3A_226 = arith.constant 8 : i32
      %parallel_loop3A_227 = vector.broadcast %parallel_loop3A_226 : i32 to vector<16xi32>
      %parallel_loop3A_228 = arith.shrui %parallel_loop3A_222, %parallel_loop3A_227 : vector<16xi32>
      %parallel_loop3A_229 = arith.constant 4095 : i32
      %parallel_loop3A_230 = vector.broadcast %parallel_loop3A_229 : i32 to vector<16xi32>
      %parallel_loop3A_231 = arith.andi %parallel_loop3A_228, %parallel_loop3A_230 : vector<16xi32>
      %parallel_loop3A_232 = arith.cmpi eq, %parallel_loop3A_225, %add3A_43 : vector<16xi32>
      tpu.vector_store_idx %arg6[%parallel_loop3A_231], %parallel_loop3A_211 masked %parallel_loop3A_232 {add = true} : memref<4096xf32, #tpu.memory_space<vmem>>[vector<16xi32>], vector<16xf32>, vector<16xi1>
    } {sc.loop_unroll_factor = 10 : i64, sc.parallel_access}
    %while3A_54 = arith.constant 0 : i32
    %while3A_55 = arith.constant false
    %while3A_56:3 = scf.while (%while3A_206 = %while3A_54, %while3A_207 = %add3A_50, %while3A_208 = %while3A_55) : (i32, vector<16xf32>, i1) -> (i32, vector<16xf32>, i1) {
      %not3A_209 = arith.constant true
      %not3A_210 = arith.xori %while3A_208, %not3A_209 : i1
      %lt3A = arith.constant 255 : i32
      %lt3A_211 = arith.cmpi slt, %while3A_206, %lt3A : i32
      %and3A = arith.andi %not3A_210, %lt3A_211 : i1
      scf.condition(%and3A) %while3A_206, %while3A_207, %while3A_208 : i32, vector<16xf32>, i1
    } do {
    ^bb0(%while3A_206: i32, %while3A_207: vector<16xf32>, %while3A_208: i1):
      %mul3A_209 = arith.constant 16 : i32
      %mul3A_210 = arith.muli %while3A_206, %mul3A_209 : i32
      %get3A_211 = arith.index_cast %mul3A_210 : i32 to index
      %get3A_212 = tpu.vector_load %arg6[%get3A_211] {strides = array<i32>} : memref<4096xf32, #tpu.memory_space<vmem>>, vector<16xf32>,
      %reduce_sum3A_213 = arith.constant true
      %reduce_sum3A_214 = vector.broadcast %reduce_sum3A_213 : i1 to vector<16xi1>
      %reduce_sum3A_215 = tpu.scan <sum>, %get3A_212 masked %reduce_sum3A_214 : vector<16xf32>, vector<16xi1> -> vector<16xf32>
      %reduce_sum3A_216 = vector.extract %reduce_sum3A_215[15] : f32 from vector<16xf32>
      %broadcast_in_dim3A_217 = vector.broadcast %reduce_sum3A_216 : f32 to vector<16xf32>
      %add3A_218 = arith.addf %while3A_207, %broadcast_in_dim3A_217 : vector<16xf32>
      %ge3A_219 = arith.cmpf oge, %add3A_218, %sub3A : vector<16xf32>
      %reduce_or3A = arith.constant 1.000000e+00 : f32
      %reduce_or3A_220 = arith.constant 0.000000e+00 : f32
      %reduce_or3A_221 = vector.broadcast %reduce_or3A : f32 to vector<16xf32>
      %reduce_or3A_222 = vector.broadcast %reduce_or3A_220 : f32 to vector<16xf32>
      %reduce_or3A_223 = arith.select %ge3A_219, %reduce_or3A_221, %reduce_or3A_222 : vector<16xi1>, vector<16xf32>
      %reduce_or3A_224 = arith.constant true
      %reduce_or3A_225 = vector.broadcast %reduce_or3A_224 : i1 to vector<16xi1>
      %reduce_or3A_226 = tpu.scan <max>, %reduce_or3A_223 masked %reduce_or3A_225 : vector<16xf32>, vector<16xi1> -> vector<16xf32>
      %reduce_or3A_227 = vector.extract %reduce_or3A_226[15] : f32 from vector<16xf32>
      %reduce_or3A_228 = arith.constant 0.000000e+00 : f32
      %reduce_or3A_229 = arith.cmpf ogt, %reduce_or3A_227, %reduce_or3A_228 : f32
      %add3A_230 = arith.constant 1 : i32
      %add3A_231 = arith.addi %while3A_206, %add3A_230 : i32
      %select_n3A_232 = arith.select %reduce_or3A_229, %while3A_206, %add3A_231 : i32
      %select_n3A_233 = arith.select %reduce_or3A_229, %while3A_207, %add3A_218 : vector<16xf32>
      scf.yield %select_n3A_232, %select_n3A_233, %reduce_or3A_229 : i32, vector<16xf32>, i1
    }
    %mul3A_57 = arith.constant 16 : i32
    %mul3A_58 = arith.muli %while3A_56#0, %mul3A_57 : i32
    %get3A_59 = arith.index_cast %mul3A_58 : i32 to index
    %get3A_60 = tpu.vector_load %arg6[%get3A_59] {strides = array<i32>} : memref<4096xf32, #tpu.memory_space<vmem>>, vector<16xf32>,
    %broadcast_in_dim3A_61 = arith.constant true
    %broadcast_in_dim3A_62 = vector.broadcast %broadcast_in_dim3A_61 : i1 to vector<16xi1>
    %masked_cumsum3A_63 = tpu.scan <sum>, %get3A_60 masked %broadcast_in_dim3A_62 : vector<16xf32>, vector<16xi1> -> vector<16xf32>
    %add3A_64 = arith.addf %masked_cumsum3A_63, %while3A_56#1 : vector<16xf32>
    %ge3A_65 = arith.cmpf oge, %add3A_64, %sub3A : vector<16xf32>
    %not3A_66 = arith.constant dense<true> : vector<16xi1>
    %not3A_67 = arith.xori %ge3A_65, %not3A_66 : vector<16xi1>
    %all_reduce_population_count3A_68 = tpu.all_reduce %not3A_67 {dim = 0 : i64, kind = #tpu.reduction_kind<sum>} : vector<16xi1> -> vector<16xi32>
    %mul3A_69 = arith.constant 16 : i32
    %mul3A_70 = arith.muli %while3A_56#0, %mul3A_69 : i32
    %add3A_71 = vector.broadcast %mul3A_70 : i32 to vector<16xi32>
    %add3A_72 = arith.addi %all_reduce_population_count3A_68, %add3A_71 : vector<16xi32>
    %jit3A_73 = arith.constant 0.000000e+00 : f32
    %broadcast_in_dim3A_74 = vector.broadcast %jit3A_73 : f32 to vector<16xf32>
    %select_n3A_75 = arith.select %ge3A_65, %broadcast_in_dim3A_74, %get3A_60 : vector<16xi1>, vector<16xf32>
    %reduce_sum3A_76 = arith.constant true
    %reduce_sum3A_77 = vector.broadcast %reduce_sum3A_76 : i1 to vector<16xi1>
    %reduce_sum3A_78 = tpu.scan <sum>, %select_n3A_75 masked %reduce_sum3A_77 : vector<16xf32>, vector<16xi1> -> vector<16xf32>
    %reduce_sum3A_79 = vector.extract %reduce_sum3A_78[15] : f32 from vector<16xf32>
    %broadcast_in_dim3A_80 = vector.broadcast %reduce_sum3A_79 : f32 to vector<16xf32>
    %add3A_81 = arith.addf %while3A_56#1, %broadcast_in_dim3A_80 : vector<16xf32>
    %sub3A_82 = arith.subf %broadcast_in_dim3A_25, %add3A_81 : vector<16xf32>
    %div3A = arith.constant 1.000000e+00 : f32
    %div3A_83 = vector.broadcast %div3A : f32 to vector<16xf32>
    %div3A_84 = arith.divf %div3A_83, %sub3A_82 : vector<16xf32>
    %shift_left3A = arith.constant 20 : i32
    %shift_left3A_85 = vector.broadcast %shift_left3A : i32 to vector<16xi32>
    %shift_left3A_86 = arith.shli %add3A_43, %shift_left3A_85 : vector<16xi32>
    %shift_left3A_87 = arith.constant 8 : i32
    %shift_left3A_88 = vector.broadcast %shift_left3A_87 : i32 to vector<16xi32>
    %shift_left3A_89 = arith.shli %add3A_72, %shift_left3A_88 : vector<16xi32>
    %or3A = arith.ori %shift_left3A_86, %shift_left3A_89 : vector<16xi32>
    %xor3A = arith.constant -2147483648 : i32
    %xor3A_90 = vector.broadcast %xor3A : i32 to vector<16xi32>
    %xor3A_91 = arith.xori %or3A, %xor3A_90 : vector<16xi32>
    %parallel_loop3A_92 = arith.constant 0 : i32
    %parallel_loop3A_93 = arith.constant 6250 : i32
    %parallel_loop3A_94 = arith.constant 1 : i32
    scf.for %parallel_loop3A_206 = %parallel_loop3A_92 to %parallel_loop3A_93 step %parallel_loop3A_94  : i32 {
      %parallel_loop3A_207 = arith.constant 16 : i32
      %parallel_loop3A_208 = arith.muli %parallel_loop3A_206, %parallel_loop3A_207 : i32
      %parallel_loop3A_209 = arith.index_cast %parallel_loop3A_208 : i32 to index
      %parallel_loop3A_210 = tpu.vector_load %arg4[%parallel_loop3A_209] {strides = array<i32>} : memref<100000xf32, #tpu.memory_space<vmem>>, vector<16xf32>,
      %parallel_loop3A_211 = math.exp %parallel_loop3A_210 : vector<16xf32>
      %parallel_loop3A_212 = tpu.bitcast %parallel_loop3A_210 : vector<16xf32> -> vector<16xi32>
      %parallel_loop3A_213 = arith.constant 31 : i32
      %parallel_loop3A_214 = vector.broadcast %parallel_loop3A_213 : i32 to vector<16xi32>
      %parallel_loop3A_215 = arith.shrsi %parallel_loop3A_212, %parallel_loop3A_214 : vector<16xi32>
      %parallel_loop3A_216 = arith.constant 2147483647 : i32
      %parallel_loop3A_217 = vector.broadcast %parallel_loop3A_216 : i32 to vector<16xi32>
      %parallel_loop3A_218 = arith.andi %parallel_loop3A_215, %parallel_loop3A_217 : vector<16xi32>
      %parallel_loop3A_219 = arith.xori %parallel_loop3A_212, %parallel_loop3A_218 : vector<16xi32>
      %parallel_loop3A_220 = arith.constant -2147483648 : i32
      %parallel_loop3A_221 = vector.broadcast %parallel_loop3A_220 : i32 to vector<16xi32>
      %parallel_loop3A_222 = arith.xori %parallel_loop3A_219, %parallel_loop3A_221 : vector<16xi32>
      %parallel_loop3A_223 = arith.constant -2147483648 : i32
      %parallel_loop3A_224 = vector.broadcast %parallel_loop3A_223 : i32 to vector<16xi32>
      %parallel_loop3A_225 = arith.xori %parallel_loop3A_222, %parallel_loop3A_224 : vector<16xi32>
      %parallel_loop3A_226 = arith.cmpi sge, %parallel_loop3A_225, %xor3A_91 : vector<16xi32>
      %parallel_loop3A_227 = arith.mulf %parallel_loop3A_211, %div3A_84 : vector<16xf32>
      %parallel_loop3A_228 = arith.constant 0.000000e+00 : f32
      %parallel_loop3A_229 = vector.broadcast %parallel_loop3A_228 : f32 to vector<16xf32>
      %parallel_loop3A_230 = arith.select %parallel_loop3A_226, %parallel_loop3A_227, %parallel_loop3A_229 : vector<16xi1>, vector<16xf32>
      %parallel_loop3A_231 = arith.constant 16 : i32
      %parallel_loop3A_232 = arith.muli %parallel_loop3A_206, %parallel_loop3A_231 : i32
      %parallel_loop3A_233 = arith.index_cast %parallel_loop3A_232 : i32 to index
      %parallel_loop3A_234 = tpu.vector_load %arg4[%parallel_loop3A_233] {strides = array<i32>} : memref<100000xf32, #tpu.memory_space<vmem>>, vector<16xf32>,
      tpu.vector_store %arg4[%parallel_loop3A_233], %parallel_loop3A_230 {strides = array<i32>} : memref<100000xf32, #tpu.memory_space<vmem>>, vector<16xf32>,
    } {sc.loop_unroll_factor = 10 : i64, sc.parallel_access}
    "tpu.region"() ({
      %run_scoped3A = tpu.sem_alloc : memref<!tpu.dma_semaphore, #tpu.memory_space<semaphore_mem>>
      %dma_start3A = arith.constant 0 : i32
      %dma_start3A_206 = tpu.memref_slice %arg3[%add3A_4, %dma_start3A] : memref<64x100000xf32, #tpu.memory_space<hbm>> -> memref<1x100000xf32, #tpu.memory_space<hbm>>
      %dma_start3A_207 = tpu.memref_squeeze %dma_start3A_206 : memref<1x100000xf32, #tpu.memory_space<hbm>> -> memref<100000xf32, #tpu.memory_space<hbm>>
      %dma_start3A_208 = arith.constant 0 : i32
      %dma_start3A_209 = tpu.memref_slice %arg3[%add3A_4, %dma_start3A_208] : memref<64x100000xf32, #tpu.memory_space<hbm>> -> memref<1x100000xf32, #tpu.memory_space<hbm>>
      %dma_start3A_210 = tpu.memref_squeeze %dma_start3A_209 : memref<1x100000xf32, #tpu.memory_space<hbm>> -> memref<100000xf32, #tpu.memory_space<hbm>>
      tpu.enqueue_dma source(%arg4 : memref<100000xf32, #tpu.memory_space<vmem>>) target(%dma_start3A_210 : memref<100000xf32, #tpu.memory_space<hbm>>) target_semaphore(%run_scoped3A : memref<!tpu.dma_semaphore, #tpu.memory_space<semaphore_mem>>)
      %dma_wait3A = arith.constant 0 : i32
      %dma_wait3A_211 = tpu.memref_slice %arg3[%add3A_4, %dma_wait3A] : memref<64x100000xf32, #tpu.memory_space<hbm>> -> memref<1x100000xf32, #tpu.memory_space<hbm>>
      %dma_wait3A_212 = tpu.memref_squeeze %dma_wait3A_211 : memref<1x100000xf32, #tpu.memory_space<hbm>> -> memref<100000xf32, #tpu.memory_space<hbm>>
      %dma_wait3A_213 = arith.constant 0 : i32
      %dma_wait3A_214 = tpu.memref_slice %arg3[%add3A_4, %dma_wait3A_213] : memref<64x100000xf32, #tpu.memory_space<hbm>> -> memref<1x100000xf32, #tpu.memory_space<hbm>>
      %dma_wait3A_215 = tpu.memref_squeeze %dma_wait3A_214 : memref<1x100000xf32, #tpu.memory_space<hbm>> -> memref<100000xf32, #tpu.memory_space<hbm>>
      tpu.wait_dma2 semaphore(%run_scoped3A : memref<!tpu.dma_semaphore, #tpu.memory_space<semaphore_mem>>) src(%arg4 : memref<100000xf32, #tpu.memory_space<vmem>>) dst(%dma_wait3A_215 : memref<100000xf32, #tpu.memory_space<hbm>>)
      tpu.yield
    }) : () -> ()
    %mul3A_95 = arith.constant 2 : i32
    %mul3A_96 = arith.muli %add3A, %mul3A_95 : i32
    %add3A_97 = arith.constant 1 : i32
    %add3A_98 = arith.addi %mul3A_96, %add3A_97 : i32
    "tpu.region"() ({
      %run_scoped3A = tpu.sem_alloc : memref<!tpu.dma_semaphore, #tpu.memory_space<semaphore_mem>>
      %dma_start3A = arith.constant 0 : i32
      %dma_start3A_206 = tpu.memref_slice %arg2[%add3A_98, %dma_start3A] : memref<64x100000xf32, #tpu.memory_space<hbm>> -> memref<1x100000xf32, #tpu.memory_space<hbm>>
      %dma_start3A_207 = tpu.memref_squeeze %dma_start3A_206 : memref<1x100000xf32, #tpu.memory_space<hbm>> -> memref<100000xf32, #tpu.memory_space<hbm>>
      %dma_start3A_208 = arith.constant 0 : i32
      %dma_start3A_209 = tpu.memref_slice %arg2[%add3A_98, %dma_start3A_208] : memref<64x100000xf32, #tpu.memory_space<hbm>> -> memref<1x100000xf32, #tpu.memory_space<hbm>>
      %dma_start3A_210 = tpu.memref_squeeze %dma_start3A_209 : memref<1x100000xf32, #tpu.memory_space<hbm>> -> memref<100000xf32, #tpu.memory_space<hbm>>
      tpu.enqueue_dma source(%dma_start3A_210 : memref<100000xf32, #tpu.memory_space<hbm>>) target(%arg4 : memref<100000xf32, #tpu.memory_space<vmem>>) target_semaphore(%run_scoped3A : memref<!tpu.dma_semaphore, #tpu.memory_space<semaphore_mem>>)
      %dma_wait3A = arith.constant 0 : i32
      %dma_wait3A_211 = tpu.memref_slice %arg2[%add3A_98, %dma_wait3A] : memref<64x100000xf32, #tpu.memory_space<hbm>> -> memref<1x100000xf32, #tpu.memory_space<hbm>>
      %dma_wait3A_212 = tpu.memref_squeeze %dma_wait3A_211 : memref<1x100000xf32, #tpu.memory_space<hbm>> -> memref<100000xf32, #tpu.memory_space<hbm>>
      %dma_wait3A_213 = arith.constant 0 : i32
      %dma_wait3A_214 = tpu.memref_slice %arg2[%add3A_98, %dma_wait3A_213] : memref<64x100000xf32, #tpu.memory_space<hbm>> -> memref<1x100000xf32, #tpu.memory_space<hbm>>
      %dma_wait3A_215 = tpu.memref_squeeze %dma_wait3A_214 : memref<1x100000xf32, #tpu.memory_space<hbm>> -> memref<100000xf32, #tpu.memory_space<hbm>>
      tpu.wait_dma2 semaphore(%run_scoped3A : memref<!tpu.dma_semaphore, #tpu.memory_space<semaphore_mem>>) src(%dma_wait3A_215 : memref<100000xf32, #tpu.memory_space<hbm>>) dst(%arg4 : memref<100000xf32, #tpu.memory_space<vmem>>)
      tpu.yield
    }) : () -> ()
    %broadcast_in_dim3A_99 = arith.constant 0.000000e+00 : f32
    %broadcast_in_dim3A_100 = vector.broadcast %broadcast_in_dim3A_99 : f32 to vector<16xf32>
    %parallel_loop3A_101 = arith.constant 0 : i32
    %parallel_loop3A_102 = arith.constant 256 : i32
    %parallel_loop3A_103 = arith.constant 1 : i32
    scf.for %parallel_loop3A_206 = %parallel_loop3A_101 to %parallel_loop3A_102 step %parallel_loop3A_103  : i32 {
      %parallel_loop3A_207 = arith.constant 16 : i32
      %parallel_loop3A_208 = arith.muli %parallel_loop3A_206, %parallel_loop3A_207 : i32
      %parallel_loop3A_209 = arith.index_cast %parallel_loop3A_208 : i32 to index
      %parallel_loop3A_210 = tpu.vector_load %arg5[%parallel_loop3A_209] {strides = array<i32>} : memref<4096xf32, #tpu.memory_space<vmem>>, vector<16xf32>,
      tpu.vector_store %arg5[%parallel_loop3A_209], %broadcast_in_dim3A_100 {strides = array<i32>} : memref<4096xf32, #tpu.memory_space<vmem>>, vector<16xf32>,
      %parallel_loop3A_211 = arith.constant 16 : i32
      %parallel_loop3A_212 = arith.muli %parallel_loop3A_206, %parallel_loop3A_211 : i32
      %parallel_loop3A_213 = arith.index_cast %parallel_loop3A_212 : i32 to index
      %parallel_loop3A_214 = tpu.vector_load %arg6[%parallel_loop3A_213] {strides = array<i32>} : memref<4096xf32, #tpu.memory_space<vmem>>, vector<16xf32>,
      tpu.vector_store %arg6[%parallel_loop3A_213], %broadcast_in_dim3A_100 {strides = array<i32>} : memref<4096xf32, #tpu.memory_space<vmem>>, vector<16xf32>,
    } {sc.loop_unroll_factor = 16 : i64, sc.parallel_access}
    %parallel_loop3A_104 = arith.constant 0 : i32
    %parallel_loop3A_105 = arith.constant 6250 : i32
    %parallel_loop3A_106 = arith.constant 1 : i32
    scf.for %parallel_loop3A_206 = %parallel_loop3A_104 to %parallel_loop3A_105 step %parallel_loop3A_106  : i32 {
      %parallel_loop3A_207 = arith.constant 16 : i32
      %parallel_loop3A_208 = arith.muli %parallel_loop3A_206, %parallel_loop3A_207 : i32
      %parallel_loop3A_209 = arith.index_cast %parallel_loop3A_208 : i32 to index
      %parallel_loop3A_210 = tpu.vector_load %arg4[%parallel_loop3A_209] {strides = array<i32>} : memref<100000xf32, #tpu.memory_space<vmem>>, vector<16xf32>,
      %parallel_loop3A_211 = math.exp %parallel_loop3A_210 : vector<16xf32>
      %parallel_loop3A_212 = tpu.bitcast %parallel_loop3A_210 : vector<16xf32> -> vector<16xi32>
      %parallel_loop3A_213 = arith.constant 31 : i32
      %parallel_loop3A_214 = vector.broadcast %parallel_loop3A_213 : i32 to vector<16xi32>
      %parallel_loop3A_215 = arith.shrsi %parallel_loop3A_212, %parallel_loop3A_214 : vector<16xi32>
      %parallel_loop3A_216 = arith.constant 2147483647 : i32
      %parallel_loop3A_217 = vector.broadcast %parallel_loop3A_216 : i32 to vector<16xi32>
      %parallel_loop3A_218 = arith.andi %parallel_loop3A_215, %parallel_loop3A_217 : vector<16xi32>
      %parallel_loop3A_219 = arith.xori %parallel_loop3A_212, %parallel_loop3A_218 : vector<16xi32>
      %parallel_loop3A_220 = arith.constant -2147483648 : i32
      %parallel_loop3A_221 = vector.broadcast %parallel_loop3A_220 : i32 to vector<16xi32>
      %parallel_loop3A_222 = arith.xori %parallel_loop3A_219, %parallel_loop3A_221 : vector<16xi32>
      %parallel_loop3A_223 = arith.constant 20 : i32
      %parallel_loop3A_224 = vector.broadcast %parallel_loop3A_223 : i32 to vector<16xi32>
      %parallel_loop3A_225 = arith.shrui %parallel_loop3A_222, %parallel_loop3A_224 : vector<16xi32>
      tpu.vector_store_idx %arg5[%parallel_loop3A_225], %parallel_loop3A_211 {add = true} : memref<4096xf32, #tpu.memory_space<vmem>>[vector<16xi32>], vector<16xf32>,
    } {sc.loop_unroll_factor = 10 : i64, sc.parallel_access}
    %scan3A_107 = arith.constant 0 : i32
    %scan3A_108 = arith.constant 64 : i32
    %scan3A_109 = arith.addi %scan3A_107, %scan3A_108 : i32
    %scan3A_110 = arith.constant 4 : i32
    %scan3A_111:4 = scf.for %scan3A_206 = %scan3A_107 to %scan3A_109 step %scan3A_110 iter_args(%scan3A_207 = %broadcast_in_dim3A_100, %scan3A_208 = %broadcast_in_dim3A_100, %scan3A_209 = %broadcast_in_dim3A_100, %scan3A_210 = %broadcast_in_dim3A_100) -> (vector<16xf32>, vector<16xf32>, vector<16xf32>, vector<16xf32>)  : i32 {
      %mul3A_211 = arith.constant 4 : i32
      %mul3A_212 = arith.muli %mul3A_211, %scan3A_206 : i32
      %add3A_213 = arith.constant 0 : i32
      %add3A_214 = arith.addi %mul3A_212, %add3A_213 : i32
      %mul3A_215 = arith.constant 16 : i32
      %mul3A_216 = arith.muli %add3A_214, %mul3A_215 : i32
      %get3A_217 = arith.index_cast %mul3A_216 : i32 to index
      %get3A_218 = tpu.vector_load %arg5[%get3A_217] {strides = array<i32>} : memref<4096xf32, #tpu.memory_space<vmem>>, vector<16xf32>,
      %add3A_219 = arith.addf %scan3A_207, %get3A_218 : vector<16xf32>
      %mul3A_220 = arith.constant 4 : i32
      %mul3A_221 = arith.muli %mul3A_220, %scan3A_206 : i32
      %add3A_222 = arith.constant 1 : i32
      %add3A_223 = arith.addi %mul3A_221, %add3A_222 : i32
      %mul3A_224 = arith.constant 16 : i32
      %mul3A_225 = arith.muli %add3A_223, %mul3A_224 : i32
      %get3A_226 = arith.index_cast %mul3A_225 : i32 to index
      %get3A_227 = tpu.vector_load %arg5[%get3A_226] {strides = array<i32>} : memref<4096xf32, #tpu.memory_space<vmem>>, vector<16xf32>,
      %add3A_228 = arith.addf %scan3A_208, %get3A_227 : vector<16xf32>
      %mul3A_229 = arith.constant 4 : i32
      %mul3A_230 = arith.muli %mul3A_229, %scan3A_206 : i32
      %add3A_231 = arith.constant 2 : i32
      %add3A_232 = arith.addi %mul3A_230, %add3A_231 : i32
      %mul3A_233 = arith.constant 16 : i32
      %mul3A_234 = arith.muli %add3A_232, %mul3A_233 : i32
      %get3A_235 = arith.index_cast %mul3A_234 : i32 to index
      %get3A_236 = tpu.vector_load %arg5[%get3A_235] {strides = array<i32>} : memref<4096xf32, #tpu.memory_space<vmem>>, vector<16xf32>,
      %add3A_237 = arith.addf %scan3A_209, %get3A_236 : vector<16xf32>
      %mul3A_238 = arith.constant 4 : i32
      %mul3A_239 = arith.muli %mul3A_238, %scan3A_206 : i32
      %add3A_240 = arith.constant 3 : i32
      %add3A_241 = arith.addi %mul3A_239, %add3A_240 : i32
      %mul3A_242 = arith.constant 16 : i32
      %mul3A_243 = arith.muli %add3A_241, %mul3A_242 : i32
      %get3A_244 = arith.index_cast %mul3A_243 : i32 to index
      %get3A_245 = tpu.vector_load %arg5[%get3A_244] {strides = array<i32>} : memref<4096xf32, #tpu.memory_space<vmem>>, vector<16xf32>,
      %add3A_246 = arith.addf %scan3A_210, %get3A_245 : vector<16xf32>
      %scan3A_247 = arith.constant 1 : i32
      %scan3A_248 = arith.addi %scan3A_206, %scan3A_247 : i32
      %mul3A_249 = arith.constant 4 : i32
      %mul3A_250 = arith.muli %mul3A_249, %scan3A_248 : i32
      %add3A_251 = arith.constant 0 : i32
      %add3A_252 = arith.addi %mul3A_250, %add3A_251 : i32
      %mul3A_253 = arith.constant 16 : i32
      %mul3A_254 = arith.muli %add3A_252, %mul3A_253 : i32
      %get3A_255 = arith.index_cast %mul3A_254 : i32 to index
      %get3A_256 = tpu.vector_load %arg5[%get3A_255] {strides = array<i32>} : memref<4096xf32, #tpu.memory_space<vmem>>, vector<16xf32>,
      %add3A_257 = arith.addf %add3A_219, %get3A_256 : vector<16xf32>
      %mul3A_258 = arith.constant 4 : i32
      %mul3A_259 = arith.muli %mul3A_258, %scan3A_248 : i32
      %add3A_260 = arith.constant 1 : i32
      %add3A_261 = arith.addi %mul3A_259, %add3A_260 : i32
      %mul3A_262 = arith.constant 16 : i32
      %mul3A_263 = arith.muli %add3A_261, %mul3A_262 : i32
      %get3A_264 = arith.index_cast %mul3A_263 : i32 to index
      %get3A_265 = tpu.vector_load %arg5[%get3A_264] {strides = array<i32>} : memref<4096xf32, #tpu.memory_space<vmem>>, vector<16xf32>,
      %add3A_266 = arith.addf %add3A_228, %get3A_265 : vector<16xf32>
      %mul3A_267 = arith.constant 4 : i32
      %mul3A_268 = arith.muli %mul3A_267, %scan3A_248 : i32
      %add3A_269 = arith.constant 2 : i32
      %add3A_270 = arith.addi %mul3A_268, %add3A_269 : i32
      %mul3A_271 = arith.constant 16 : i32
      %mul3A_272 = arith.muli %add3A_270, %mul3A_271 : i32
      %get3A_273 = arith.index_cast %mul3A_272 : i32 to index
      %get3A_274 = tpu.vector_load %arg5[%get3A_273] {strides = array<i32>} : memref<4096xf32, #tpu.memory_space<vmem>>, vector<16xf32>,
      %add3A_275 = arith.addf %add3A_237, %get3A_274 : vector<16xf32>
      %mul3A_276 = arith.constant 4 : i32
      %mul3A_277 = arith.muli %mul3A_276, %scan3A_248 : i32
      %add3A_278 = arith.constant 3 : i32
      %add3A_279 = arith.addi %mul3A_277, %add3A_278 : i32
      %mul3A_280 = arith.constant 16 : i32
      %mul3A_281 = arith.muli %add3A_279, %mul3A_280 : i32
      %get3A_282 = arith.index_cast %mul3A_281 : i32 to index
      %get3A_283 = tpu.vector_load %arg5[%get3A_282] {strides = array<i32>} : memref<4096xf32, #tpu.memory_space<vmem>>, vector<16xf32>,
      %add3A_284 = arith.addf %add3A_246, %get3A_283 : vector<16xf32>
      %scan3A_285 = arith.constant 2 : i32
      %scan3A_286 = arith.addi %scan3A_206, %scan3A_285 : i32
      %mul3A_287 = arith.constant 4 : i32
      %mul3A_288 = arith.muli %mul3A_287, %scan3A_286 : i32
      %add3A_289 = arith.constant 0 : i32
      %add3A_290 = arith.addi %mul3A_288, %add3A_289 : i32
      %mul3A_291 = arith.constant 16 : i32
      %mul3A_292 = arith.muli %add3A_290, %mul3A_291 : i32
      %get3A_293 = arith.index_cast %mul3A_292 : i32 to index
      %get3A_294 = tpu.vector_load %arg5[%get3A_293] {strides = array<i32>} : memref<4096xf32, #tpu.memory_space<vmem>>, vector<16xf32>,
      %add3A_295 = arith.addf %add3A_257, %get3A_294 : vector<16xf32>
      %mul3A_296 = arith.constant 4 : i32
      %mul3A_297 = arith.muli %mul3A_296, %scan3A_286 : i32
      %add3A_298 = arith.constant 1 : i32
      %add3A_299 = arith.addi %mul3A_297, %add3A_298 : i32
      %mul3A_300 = arith.constant 16 : i32
      %mul3A_301 = arith.muli %add3A_299, %mul3A_300 : i32
      %get3A_302 = arith.index_cast %mul3A_301 : i32 to index
      %get3A_303 = tpu.vector_load %arg5[%get3A_302] {strides = array<i32>} : memref<4096xf32, #tpu.memory_space<vmem>>, vector<16xf32>,
      %add3A_304 = arith.addf %add3A_266, %get3A_303 : vector<16xf32>
      %mul3A_305 = arith.constant 4 : i32
      %mul3A_306 = arith.muli %mul3A_305, %scan3A_286 : i32
      %add3A_307 = arith.constant 2 : i32
      %add3A_308 = arith.addi %mul3A_306, %add3A_307 : i32
      %mul3A_309 = arith.constant 16 : i32
      %mul3A_310 = arith.muli %add3A_308, %mul3A_309 : i32
      %get3A_311 = arith.index_cast %mul3A_310 : i32 to index
      %get3A_312 = tpu.vector_load %arg5[%get3A_311] {strides = array<i32>} : memref<4096xf32, #tpu.memory_space<vmem>>, vector<16xf32>,
      %add3A_313 = arith.addf %add3A_275, %get3A_312 : vector<16xf32>
      %mul3A_314 = arith.constant 4 : i32
      %mul3A_315 = arith.muli %mul3A_314, %scan3A_286 : i32
      %add3A_316 = arith.constant 3 : i32
      %add3A_317 = arith.addi %mul3A_315, %add3A_316 : i32
      %mul3A_318 = arith.constant 16 : i32
      %mul3A_319 = arith.muli %add3A_317, %mul3A_318 : i32
      %get3A_320 = arith.index_cast %mul3A_319 : i32 to index
      %get3A_321 = tpu.vector_load %arg5[%get3A_320] {strides = array<i32>} : memref<4096xf32, #tpu.memory_space<vmem>>, vector<16xf32>,
      %add3A_322 = arith.addf %add3A_284, %get3A_321 : vector<16xf32>
      %scan3A_323 = arith.constant 3 : i32
      %scan3A_324 = arith.addi %scan3A_206, %scan3A_323 : i32
      %mul3A_325 = arith.constant 4 : i32
      %mul3A_326 = arith.muli %mul3A_325, %scan3A_324 : i32
      %add3A_327 = arith.constant 0 : i32
      %add3A_328 = arith.addi %mul3A_326, %add3A_327 : i32
      %mul3A_329 = arith.constant 16 : i32
      %mul3A_330 = arith.muli %add3A_328, %mul3A_329 : i32
      %get3A_331 = arith.index_cast %mul3A_330 : i32 to index
      %get3A_332 = tpu.vector_load %arg5[%get3A_331] {strides = array<i32>} : memref<4096xf32, #tpu.memory_space<vmem>>, vector<16xf32>,
      %add3A_333 = arith.addf %add3A_295, %get3A_332 : vector<16xf32>
      %mul3A_334 = arith.constant 4 : i32
      %mul3A_335 = arith.muli %mul3A_334, %scan3A_324 : i32
      %add3A_336 = arith.constant 1 : i32
      %add3A_337 = arith.addi %mul3A_335, %add3A_336 : i32
      %mul3A_338 = arith.constant 16 : i32
      %mul3A_339 = arith.muli %add3A_337, %mul3A_338 : i32
      %get3A_340 = arith.index_cast %mul3A_339 : i32 to index
      %get3A_341 = tpu.vector_load %arg5[%get3A_340] {strides = array<i32>} : memref<4096xf32, #tpu.memory_space<vmem>>, vector<16xf32>,
      %add3A_342 = arith.addf %add3A_304, %get3A_341 : vector<16xf32>
      %mul3A_343 = arith.constant 4 : i32
      %mul3A_344 = arith.muli %mul3A_343, %scan3A_324 : i32
      %add3A_345 = arith.constant 2 : i32
      %add3A_346 = arith.addi %mul3A_344, %add3A_345 : i32
      %mul3A_347 = arith.constant 16 : i32
      %mul3A_348 = arith.muli %add3A_346, %mul3A_347 : i32
      %get3A_349 = arith.index_cast %mul3A_348 : i32 to index
      %get3A_350 = tpu.vector_load %arg5[%get3A_349] {strides = array<i32>} : memref<4096xf32, #tpu.memory_space<vmem>>, vector<16xf32>,
      %add3A_351 = arith.addf %add3A_313, %get3A_350 : vector<16xf32>
      %mul3A_352 = arith.constant 4 : i32
      %mul3A_353 = arith.muli %mul3A_352, %scan3A_324 : i32
      %add3A_354 = arith.constant 3 : i32
      %add3A_355 = arith.addi %mul3A_353, %add3A_354 : i32
      %mul3A_356 = arith.constant 16 : i32
      %mul3A_357 = arith.muli %add3A_355, %mul3A_356 : i32
      %get3A_358 = arith.index_cast %mul3A_357 : i32 to index
      %get3A_359 = tpu.vector_load %arg5[%get3A_358] {strides = array<i32>} : memref<4096xf32, #tpu.memory_space<vmem>>, vector<16xf32>,
      %add3A_360 = arith.addf %add3A_322, %get3A_359 : vector<16xf32>
      scf.yield %add3A_333, %add3A_342, %add3A_351, %add3A_360 : vector<16xf32>, vector<16xf32>, vector<16xf32>, vector<16xf32>
    }
    %scan3A_112 = arith.constant 64 : i32
    %add3A_113 = arith.constant 0.000000e+00 : f32
    %add3A_114 = vector.broadcast %add3A_113 : f32 to vector<16xf32>
    %add3A_115 = arith.addf %add3A_114, %scan3A_111#0 : vector<16xf32>
    %add3A_116 = arith.addf %add3A_115, %scan3A_111#1 : vector<16xf32>
    %add3A_117 = arith.addf %add3A_116, %scan3A_111#2 : vector<16xf32>
    %add3A_118 = arith.addf %add3A_117, %scan3A_111#3 : vector<16xf32>
    %reduce_sum3A_119 = arith.constant true
    %reduce_sum3A_120 = vector.broadcast %reduce_sum3A_119 : i1 to vector<16xi1>
    %reduce_sum3A_121 = tpu.scan <sum>, %add3A_118 masked %reduce_sum3A_120 : vector<16xf32>, vector<16xi1> -> vector<16xf32>
    %reduce_sum3A_122 = vector.extract %reduce_sum3A_121[15] : f32 from vector<16xf32>
    %broadcast_in_dim3A_123 = vector.broadcast %reduce_sum3A_122 : f32 to vector<16xf32>
    %mul3A_124 = arith.constant 0.899999976 : f32
    %mul3A_125 = vector.broadcast %mul3A_124 : f32 to vector<16xf32>
    %mul3A_126 = arith.mulf %mul3A_125, %broadcast_in_dim3A_123 : vector<16xf32>
    %sub3A_127 = arith.subf %broadcast_in_dim3A_123, %mul3A_126 : vector<16xf32>
    %broadcast_in_dim3A_128 = arith.constant 0.000000e+00 : f32
    %broadcast_in_dim3A_129 = vector.broadcast %broadcast_in_dim3A_128 : f32 to vector<16xf32>
    %while3A_130 = arith.constant 0 : i32
    %while3A_131 = arith.constant false
    %while3A_132:3 = scf.while (%while3A_206 = %while3A_130, %while3A_207 = %broadcast_in_dim3A_129, %while3A_208 = %while3A_131) : (i32, vector<16xf32>, i1) -> (i32, vector<16xf32>, i1) {
      %not3A_209 = arith.constant true
      %not3A_210 = arith.xori %while3A_208, %not3A_209 : i1
      %lt3A = arith.constant 255 : i32
      %lt3A_211 = arith.cmpi slt, %while3A_206, %lt3A : i32
      %and3A = arith.andi %not3A_210, %lt3A_211 : i1
      scf.condition(%and3A) %while3A_206, %while3A_207, %while3A_208 : i32, vector<16xf32>, i1
    } do {
    ^bb0(%while3A_206: i32, %while3A_207: vector<16xf32>, %while3A_208: i1):
      %mul3A_209 = arith.constant 16 : i32
      %mul3A_210 = arith.muli %while3A_206, %mul3A_209 : i32
      %get3A_211 = arith.index_cast %mul3A_210 : i32 to index
      %get3A_212 = tpu.vector_load %arg5[%get3A_211] {strides = array<i32>} : memref<4096xf32, #tpu.memory_space<vmem>>, vector<16xf32>,
      %reduce_sum3A_213 = arith.constant true
      %reduce_sum3A_214 = vector.broadcast %reduce_sum3A_213 : i1 to vector<16xi1>
      %reduce_sum3A_215 = tpu.scan <sum>, %get3A_212 masked %reduce_sum3A_214 : vector<16xf32>, vector<16xi1> -> vector<16xf32>
      %reduce_sum3A_216 = vector.extract %reduce_sum3A_215[15] : f32 from vector<16xf32>
      %broadcast_in_dim3A_217 = vector.broadcast %reduce_sum3A_216 : f32 to vector<16xf32>
      %add3A_218 = arith.addf %while3A_207, %broadcast_in_dim3A_217 : vector<16xf32>
      %ge3A_219 = arith.cmpf oge, %add3A_218, %sub3A_127 : vector<16xf32>
      %reduce_or3A = arith.constant 1.000000e+00 : f32
      %reduce_or3A_220 = arith.constant 0.000000e+00 : f32
      %reduce_or3A_221 = vector.broadcast %reduce_or3A : f32 to vector<16xf32>
      %reduce_or3A_222 = vector.broadcast %reduce_or3A_220 : f32 to vector<16xf32>
      %reduce_or3A_223 = arith.select %ge3A_219, %reduce_or3A_221, %reduce_or3A_222 : vector<16xi1>, vector<16xf32>
      %reduce_or3A_224 = arith.constant true
      %reduce_or3A_225 = vector.broadcast %reduce_or3A_224 : i1 to vector<16xi1>
      %reduce_or3A_226 = tpu.scan <max>, %reduce_or3A_223 masked %reduce_or3A_225 : vector<16xf32>, vector<16xi1> -> vector<16xf32>
      %reduce_or3A_227 = vector.extract %reduce_or3A_226[15] : f32 from vector<16xf32>
      %reduce_or3A_228 = arith.constant 0.000000e+00 : f32
      %reduce_or3A_229 = arith.cmpf ogt, %reduce_or3A_227, %reduce_or3A_228 : f32
      %add3A_230 = arith.constant 1 : i32
      %add3A_231 = arith.addi %while3A_206, %add3A_230 : i32
      %select_n3A_232 = arith.select %reduce_or3A_229, %while3A_206, %add3A_231 : i32
      %select_n3A_233 = arith.select %reduce_or3A_229, %while3A_207, %add3A_218 : vector<16xf32>
      scf.yield %select_n3A_232, %select_n3A_233, %reduce_or3A_229 : i32, vector<16xf32>, i1
    }
    %mul3A_133 = arith.constant 16 : i32
    %mul3A_134 = arith.muli %while3A_132#0, %mul3A_133 : i32
    %get3A_135 = arith.index_cast %mul3A_134 : i32 to index
    %get3A_136 = tpu.vector_load %arg5[%get3A_135] {strides = array<i32>} : memref<4096xf32, #tpu.memory_space<vmem>>, vector<16xf32>,
    %broadcast_in_dim3A_137 = arith.constant true
    %broadcast_in_dim3A_138 = vector.broadcast %broadcast_in_dim3A_137 : i1 to vector<16xi1>
    %masked_cumsum3A_139 = tpu.scan <sum>, %get3A_136 masked %broadcast_in_dim3A_138 : vector<16xf32>, vector<16xi1> -> vector<16xf32>
    %add3A_140 = arith.addf %masked_cumsum3A_139, %while3A_132#1 : vector<16xf32>
    %ge3A_141 = arith.cmpf oge, %add3A_140, %sub3A_127 : vector<16xf32>
    %not3A_142 = arith.constant dense<true> : vector<16xi1>
    %not3A_143 = arith.xori %ge3A_141, %not3A_142 : vector<16xi1>
    %all_reduce_population_count3A_144 = tpu.all_reduce %not3A_143 {dim = 0 : i64, kind = #tpu.reduction_kind<sum>} : vector<16xi1> -> vector<16xi32>
    %mul3A_145 = arith.constant 16 : i32
    %mul3A_146 = arith.muli %while3A_132#0, %mul3A_145 : i32
    %add3A_147 = vector.broadcast %mul3A_146 : i32 to vector<16xi32>
    %add3A_148 = arith.addi %all_reduce_population_count3A_144, %add3A_147 : vector<16xi32>
    %jit3A_149 = arith.constant 0.000000e+00 : f32
    %broadcast_in_dim3A_150 = vector.broadcast %jit3A_149 : f32 to vector<16xf32>
    %select_n3A_151 = arith.select %ge3A_141, %broadcast_in_dim3A_150, %get3A_136 : vector<16xi1>, vector<16xf32>
    %reduce_sum3A_152 = arith.constant true
    %reduce_sum3A_153 = vector.broadcast %reduce_sum3A_152 : i1 to vector<16xi1>
    %reduce_sum3A_154 = tpu.scan <sum>, %select_n3A_151 masked %reduce_sum3A_153 : vector<16xf32>, vector<16xi1> -> vector<16xf32>
    %reduce_sum3A_155 = vector.extract %reduce_sum3A_154[15] : f32 from vector<16xf32>
    %broadcast_in_dim3A_156 = vector.broadcast %reduce_sum3A_155 : f32 to vector<16xf32>
    %add3A_157 = arith.addf %while3A_132#1, %broadcast_in_dim3A_156 : vector<16xf32>
    %parallel_loop3A_158 = arith.constant 0 : i32
    %parallel_loop3A_159 = arith.constant 6250 : i32
    %parallel_loop3A_160 = arith.constant 1 : i32
    scf.for %parallel_loop3A_206 = %parallel_loop3A_158 to %parallel_loop3A_159 step %parallel_loop3A_160  : i32 {
      %parallel_loop3A_207 = arith.constant 16 : i32
      %parallel_loop3A_208 = arith.muli %parallel_loop3A_206, %parallel_loop3A_207 : i32
      %parallel_loop3A_209 = arith.index_cast %parallel_loop3A_208 : i32 to index
      %parallel_loop3A_210 = tpu.vector_load %arg4[%parallel_loop3A_209] {strides = array<i32>} : memref<100000xf32, #tpu.memory_space<vmem>>, vector<16xf32>,
      %parallel_loop3A_211 = math.exp %parallel_loop3A_210 : vector<16xf32>
      %parallel_loop3A_212 = tpu.bitcast %parallel_loop3A_210 : vector<16xf32> -> vector<16xi32>
      %parallel_loop3A_213 = arith.constant 31 : i32
      %parallel_loop3A_214 = vector.broadcast %parallel_loop3A_213 : i32 to vector<16xi32>
      %parallel_loop3A_215 = arith.shrsi %parallel_loop3A_212, %parallel_loop3A_214 : vector<16xi32>
      %parallel_loop3A_216 = arith.constant 2147483647 : i32
      %parallel_loop3A_217 = vector.broadcast %parallel_loop3A_216 : i32 to vector<16xi32>
      %parallel_loop3A_218 = arith.andi %parallel_loop3A_215, %parallel_loop3A_217 : vector<16xi32>
      %parallel_loop3A_219 = arith.xori %parallel_loop3A_212, %parallel_loop3A_218 : vector<16xi32>
      %parallel_loop3A_220 = arith.constant -2147483648 : i32
      %parallel_loop3A_221 = vector.broadcast %parallel_loop3A_220 : i32 to vector<16xi32>
      %parallel_loop3A_222 = arith.xori %parallel_loop3A_219, %parallel_loop3A_221 : vector<16xi32>
      %parallel_loop3A_223 = arith.constant 20 : i32
      %parallel_loop3A_224 = vector.broadcast %parallel_loop3A_223 : i32 to vector<16xi32>
      %parallel_loop3A_225 = arith.shrui %parallel_loop3A_222, %parallel_loop3A_224 : vector<16xi32>
      %parallel_loop3A_226 = arith.constant 8 : i32
      %parallel_loop3A_227 = vector.broadcast %parallel_loop3A_226 : i32 to vector<16xi32>
      %parallel_loop3A_228 = arith.shrui %parallel_loop3A_222, %parallel_loop3A_227 : vector<16xi32>
      %parallel_loop3A_229 = arith.constant 4095 : i32
      %parallel_loop3A_230 = vector.broadcast %parallel_loop3A_229 : i32 to vector<16xi32>
      %parallel_loop3A_231 = arith.andi %parallel_loop3A_228, %parallel_loop3A_230 : vector<16xi32>
      %parallel_loop3A_232 = arith.cmpi eq, %parallel_loop3A_225, %add3A_148 : vector<16xi32>
      tpu.vector_store_idx %arg6[%parallel_loop3A_231], %parallel_loop3A_211 masked %parallel_loop3A_232 {add = true} : memref<4096xf32, #tpu.memory_space<vmem>>[vector<16xi32>], vector<16xf32>, vector<16xi1>
    } {sc.loop_unroll_factor = 10 : i64, sc.parallel_access}
    %while3A_161 = arith.constant 0 : i32
    %while3A_162 = arith.constant false
    %while3A_163:3 = scf.while (%while3A_206 = %while3A_161, %while3A_207 = %add3A_157, %while3A_208 = %while3A_162) : (i32, vector<16xf32>, i1) -> (i32, vector<16xf32>, i1) {
      %not3A_209 = arith.constant true
      %not3A_210 = arith.xori %while3A_208, %not3A_209 : i1
      %lt3A = arith.constant 255 : i32
      %lt3A_211 = arith.cmpi slt, %while3A_206, %lt3A : i32
      %and3A = arith.andi %not3A_210, %lt3A_211 : i1
      scf.condition(%and3A) %while3A_206, %while3A_207, %while3A_208 : i32, vector<16xf32>, i1
    } do {
    ^bb0(%while3A_206: i32, %while3A_207: vector<16xf32>, %while3A_208: i1):
      %mul3A_209 = arith.constant 16 : i32
      %mul3A_210 = arith.muli %while3A_206, %mul3A_209 : i32
      %get3A_211 = arith.index_cast %mul3A_210 : i32 to index
      %get3A_212 = tpu.vector_load %arg6[%get3A_211] {strides = array<i32>} : memref<4096xf32, #tpu.memory_space<vmem>>, vector<16xf32>,
      %reduce_sum3A_213 = arith.constant true
      %reduce_sum3A_214 = vector.broadcast %reduce_sum3A_213 : i1 to vector<16xi1>
      %reduce_sum3A_215 = tpu.scan <sum>, %get3A_212 masked %reduce_sum3A_214 : vector<16xf32>, vector<16xi1> -> vector<16xf32>
      %reduce_sum3A_216 = vector.extract %reduce_sum3A_215[15] : f32 from vector<16xf32>
      %broadcast_in_dim3A_217 = vector.broadcast %reduce_sum3A_216 : f32 to vector<16xf32>
      %add3A_218 = arith.addf %while3A_207, %broadcast_in_dim3A_217 : vector<16xf32>
      %ge3A_219 = arith.cmpf oge, %add3A_218, %sub3A_127 : vector<16xf32>
      %reduce_or3A = arith.constant 1.000000e+00 : f32
      %reduce_or3A_220 = arith.constant 0.000000e+00 : f32
      %reduce_or3A_221 = vector.broadcast %reduce_or3A : f32 to vector<16xf32>
      %reduce_or3A_222 = vector.broadcast %reduce_or3A_220 : f32 to vector<16xf32>
      %reduce_or3A_223 = arith.select %ge3A_219, %reduce_or3A_221, %reduce_or3A_222 : vector<16xi1>, vector<16xf32>
      %reduce_or3A_224 = arith.constant true
      %reduce_or3A_225 = vector.broadcast %reduce_or3A_224 : i1 to vector<16xi1>
      %reduce_or3A_226 = tpu.scan <max>, %reduce_or3A_223 masked %reduce_or3A_225 : vector<16xf32>, vector<16xi1> -> vector<16xf32>
      %reduce_or3A_227 = vector.extract %reduce_or3A_226[15] : f32 from vector<16xf32>
      %reduce_or3A_228 = arith.constant 0.000000e+00 : f32
      %reduce_or3A_229 = arith.cmpf ogt, %reduce_or3A_227, %reduce_or3A_228 : f32
      %add3A_230 = arith.constant 1 : i32
      %add3A_231 = arith.addi %while3A_206, %add3A_230 : i32
      %select_n3A_232 = arith.select %reduce_or3A_229, %while3A_206, %add3A_231 : i32
      %select_n3A_233 = arith.select %reduce_or3A_229, %while3A_207, %add3A_218 : vector<16xf32>
      scf.yield %select_n3A_232, %select_n3A_233, %reduce_or3A_229 : i32, vector<16xf32>, i1
    }
    %mul3A_164 = arith.constant 16 : i32
    %mul3A_165 = arith.muli %while3A_163#0, %mul3A_164 : i32
    %get3A_166 = arith.index_cast %mul3A_165 : i32 to index
    %get3A_167 = tpu.vector_load %arg6[%get3A_166] {strides = array<i32>} : memref<4096xf32, #tpu.memory_space<vmem>>, vector<16xf32>,
    %broadcast_in_dim3A_168 = arith.constant true
    %broadcast_in_dim3A_169 = vector.broadcast %broadcast_in_dim3A_168 : i1 to vector<16xi1>
    %masked_cumsum3A_170 = tpu.scan <sum>, %get3A_167 masked %broadcast_in_dim3A_169 : vector<16xf32>, vector<16xi1> -> vector<16xf32>
    %add3A_171 = arith.addf %masked_cumsum3A_170, %while3A_163#1 : vector<16xf32>
    %ge3A_172 = arith.cmpf oge, %add3A_171, %sub3A_127 : vector<16xf32>
    %not3A_173 = arith.constant dense<true> : vector<16xi1>
    %not3A_174 = arith.xori %ge3A_172, %not3A_173 : vector<16xi1>
    %all_reduce_population_count3A_175 = tpu.all_reduce %not3A_174 {dim = 0 : i64, kind = #tpu.reduction_kind<sum>} : vector<16xi1> -> vector<16xi32>
    %mul3A_176 = arith.constant 16 : i32
    %mul3A_177 = arith.muli %while3A_163#0, %mul3A_176 : i32
    %add3A_178 = vector.broadcast %mul3A_177 : i32 to vector<16xi32>
    %add3A_179 = arith.addi %all_reduce_population_count3A_175, %add3A_178 : vector<16xi32>
    %jit3A_180 = arith.constant 0.000000e+00 : f32
    %broadcast_in_dim3A_181 = vector.broadcast %jit3A_180 : f32 to vector<16xf32>
    %select_n3A_182 = arith.select %ge3A_172, %broadcast_in_dim3A_181, %get3A_167 : vector<16xi1>, vector<16xf32>
    %reduce_sum3A_183 = arith.constant true
    %reduce_sum3A_184 = vector.broadcast %reduce_sum3A_183 : i1 to vector<16xi1>
    %reduce_sum3A_185 = tpu.scan <sum>, %select_n3A_182 masked %reduce_sum3A_184 : vector<16xf32>, vector<16xi1> -> vector<16xf32>
    %reduce_sum3A_186 = vector.extract %reduce_sum3A_185[15] : f32 from vector<16xf32>
    %broadcast_in_dim3A_187 = vector.broadcast %reduce_sum3A_186 : f32 to vector<16xf32>
    %add3A_188 = arith.addf %while3A_163#1, %broadcast_in_dim3A_187 : vector<16xf32>
    %sub3A_189 = arith.subf %broadcast_in_dim3A_123, %add3A_188 : vector<16xf32>
    %div3A_190 = arith.constant 1.000000e+00 : f32
    %div3A_191 = vector.broadcast %div3A_190 : f32 to vector<16xf32>
    %div3A_192 = arith.divf %div3A_191, %sub3A_189 : vector<16xf32>
    %shift_left3A_193 = arith.constant 20 : i32
    %shift_left3A_194 = vector.broadcast %shift_left3A_193 : i32 to vector<16xi32>
    %shift_left3A_195 = arith.shli %add3A_148, %shift_left3A_194 : vector<16xi32>
    %shift_left3A_196 = arith.constant 8 : i32
    %shift_left3A_197 = vector.broadcast %shift_left3A_196 : i32 to vector<16xi32>
    %shift_left3A_198 = arith.shli %add3A_179, %shift_left3A_197 : vector<16xi32>
    %or3A_199 = arith.ori %shift_left3A_195, %shift_left3A_198 : vector<16xi32>
    %xor3A_200 = arith.constant -2147483648 : i32
    %xor3A_201 = vector.broadcast %xor3A_200 : i32 to vector<16xi32>
    %xor3A_202 = arith.xori %or3A_199, %xor3A_201 : vector<16xi32>
    %parallel_loop3A_203 = arith.constant 0 : i32
    %parallel_loop3A_204 = arith.constant 6250 : i32
    %parallel_loop3A_205 = arith.constant 1 : i32
    scf.for %parallel_loop3A_206 = %parallel_loop3A_203 to %parallel_loop3A_204 step %parallel_loop3A_205  : i32 {
      %parallel_loop3A_207 = arith.constant 16 : i32
      %parallel_loop3A_208 = arith.muli %parallel_loop3A_206, %parallel_loop3A_207 : i32
      %parallel_loop3A_209 = arith.index_cast %parallel_loop3A_208 : i32 to index
      %parallel_loop3A_210 = tpu.vector_load %arg4[%parallel_loop3A_209] {strides = array<i32>} : memref<100000xf32, #tpu.memory_space<vmem>>, vector<16xf32>,
      %parallel_loop3A_211 = math.exp %parallel_loop3A_210 : vector<16xf32>
      %parallel_loop3A_212 = tpu.bitcast %parallel_loop3A_210 : vector<16xf32> -> vector<16xi32>
      %parallel_loop3A_213 = arith.constant 31 : i32
      %parallel_loop3A_214 = vector.broadcast %parallel_loop3A_213 : i32 to vector<16xi32>
      %parallel_loop3A_215 = arith.shrsi %parallel_loop3A_212, %parallel_loop3A_214 : vector<16xi32>
      %parallel_loop3A_216 = arith.constant 2147483647 : i32
      %parallel_loop3A_217 = vector.broadcast %parallel_loop3A_216 : i32 to vector<16xi32>
      %parallel_loop3A_218 = arith.andi %parallel_loop3A_215, %parallel_loop3A_217 : vector<16xi32>
      %parallel_loop3A_219 = arith.xori %parallel_loop3A_212, %parallel_loop3A_218 : vector<16xi32>
      %parallel_loop3A_220 = arith.constant -2147483648 : i32
      %parallel_loop3A_221 = vector.broadcast %parallel_loop3A_220 : i32 to vector<16xi32>
      %parallel_loop3A_222 = arith.xori %parallel_loop3A_219, %parallel_loop3A_221 : vector<16xi32>
      %parallel_loop3A_223 = arith.constant -2147483648 : i32
      %parallel_loop3A_224 = vector.broadcast %parallel_loop3A_223 : i32 to vector<16xi32>
      %parallel_loop3A_225 = arith.xori %parallel_loop3A_222, %parallel_loop3A_224 : vector<16xi32>
      %parallel_loop3A_226 = arith.cmpi sge, %parallel_loop3A_225, %xor3A_202 : vector<16xi32>
      %parallel_loop3A_227 = arith.mulf %parallel_loop3A_211, %div3A_192 : vector<16xf32>
      %parallel_loop3A_228 = arith.constant 0.000000e+00 : f32
      %parallel_loop3A_229 = vector.broadcast %parallel_loop3A_228 : f32 to vector<16xf32>
      %parallel_loop3A_230 = arith.select %parallel_loop3A_226, %parallel_loop3A_227, %parallel_loop3A_229 : vector<16xi1>, vector<16xf32>
      %parallel_loop3A_231 = arith.constant 16 : i32
      %parallel_loop3A_232 = arith.muli %parallel_loop3A_206, %parallel_loop3A_231 : i32
      %parallel_loop3A_233 = arith.index_cast %parallel_loop3A_232 : i32 to index
      %parallel_loop3A_234 = tpu.vector_load %arg4[%parallel_loop3A_233] {strides = array<i32>} : memref<100000xf32, #tpu.memory_space<vmem>>, vector<16xf32>,
      tpu.vector_store %arg4[%parallel_loop3A_233], %parallel_loop3A_230 {strides = array<i32>} : memref<100000xf32, #tpu.memory_space<vmem>>, vector<16xf32>,
    } {sc.loop_unroll_factor = 10 : i64, sc.parallel_access}
    "tpu.region"() ({
      %run_scoped3A = tpu.sem_alloc : memref<!tpu.dma_semaphore, #tpu.memory_space<semaphore_mem>>
      %dma_start3A = arith.constant 0 : i32
      %dma_start3A_206 = tpu.memref_slice %arg3[%add3A_98, %dma_start3A] : memref<64x100000xf32, #tpu.memory_space<hbm>> -> memref<1x100000xf32, #tpu.memory_space<hbm>>
      %dma_start3A_207 = tpu.memref_squeeze %dma_start3A_206 : memref<1x100000xf32, #tpu.memory_space<hbm>> -> memref<100000xf32, #tpu.memory_space<hbm>>
      %dma_start3A_208 = arith.constant 0 : i32
      %dma_start3A_209 = tpu.memref_slice %arg3[%add3A_98, %dma_start3A_208] : memref<64x100000xf32, #tpu.memory_space<hbm>> -> memref<1x100000xf32, #tpu.memory_space<hbm>>
      %dma_start3A_210 = tpu.memref_squeeze %dma_start3A_209 : memref<1x100000xf32, #tpu.memory_space<hbm>> -> memref<100000xf32, #tpu.memory_space<hbm>>
      tpu.enqueue_dma source(%arg4 : memref<100000xf32, #tpu.memory_space<vmem>>) target(%dma_start3A_210 : memref<100000xf32, #tpu.memory_space<hbm>>) target_semaphore(%run_scoped3A : memref<!tpu.dma_semaphore, #tpu.memory_space<semaphore_mem>>)
      %dma_wait3A = arith.constant 0 : i32
      %dma_wait3A_211 = tpu.memref_slice %arg3[%add3A_98, %dma_wait3A] : memref<64x100000xf32, #tpu.memory_space<hbm>> -> memref<1x100000xf32, #tpu.memory_space<hbm>>
      %dma_wait3A_212 = tpu.memref_squeeze %dma_wait3A_211 : memref<1x100000xf32, #tpu.memory_space<hbm>> -> memref<100000xf32, #tpu.memory_space<hbm>>
      %dma_wait3A_213 = arith.constant 0 : i32
      %dma_wait3A_214 = tpu.memref_slice %arg3[%add3A_98, %dma_wait3A_213] : memref<64x100000xf32, #tpu.memory_space<hbm>> -> memref<1x100000xf32, #tpu.memory_space<hbm>>
      %dma_wait3A_215 = tpu.memref_squeeze %dma_wait3A_214 : memref<1x100000xf32, #tpu.memory_space<hbm>> -> memref<100000xf32, #tpu.memory_space<hbm>>
      tpu.wait_dma2 semaphore(%run_scoped3A : memref<!tpu.dma_semaphore, #tpu.memory_space<semaphore_mem>>) src(%arg4 : memref<100000xf32, #tpu.memory_space<vmem>>) dst(%dma_wait3A_215 : memref<100000xf32, #tpu.memory_space<hbm>>)
      tpu.yield
    }) : () -> ()
    return
  }
}

</mosaic_0001>

<sc_bundles>
// kernel: kernel.3.cloned.1.call-start
scs
__scs_entry_jumppad:
0x0: {  	(pc) =	sbr.rel $0x88, $3  }
0x1: {  	(tag) =	ssettag $0x0;
	lr =	simm.s32 $0x1  }
0x2: {  	[smem:$0x3FA0] =	sst lr;
	_ =	strace $0xD0000000  }
0x3: {  	_ = 	snop  }
0x4: {  	_ = 	snop  }
0x5: {  	_ = 	snop  }
0x6: {  	_ = 	snop  }
0x7: {  	_ = 	snop  }
__scs_overlays_trampoline_lowered:
0x8: {  	[smem:$0x3FAF] =	sst s0  }
0x9: {  	[smem:$0x3FB0] =	sst s1  }
0xa: {  	[smem:$0x3FB1] =	sst s2  }
0xb: {  	[smem:$0x3FB2] =	sst s3  }
0xc: {  	[smem:$0x3FB3] =	sst s4  }
0xd: {  	[smem:$0x3FB4] =	sst s5  }
0xe: {  	[smem:$0x3FB5] =	sst s6  }
0xf: {  	[smem:$0x3FB6] =	sst s7  }
0x10: {  	[smem:$0x3FB7] =	sst s8  }
0x11: {  	[smem:$0x3FB8] =	sst s9;
	s0 =	simm.s32 @!p0 $0x0  }
0x12: {  	s1 =	sld [smem:$0x3F9E];
	s0 =	simm.s32 @p0 $0x1  }
0x13: {  	[smem:$0x3FB9] =	sst s0;
	s0 =	simm.s32 @!p1 $0x0  }
0x14: {  	s2 =	sld [smem:$0x3F9D];
	s0 =	simm.s32 @p1 $0x1  }
0x15: {  	[smem:$0x3FBA] =	sst s0;
	s0 =	simm.s32 @!p2 $0x0  }
0x16: {  	s3 =	sld [smem:$0x3FDB];
	s0 =	simm.s32 @p2 $0x1  }
0x17: {  	s4 =	simm.s32 $0x1BF5;
	[smem:$0x3FBC] =	sst s0  }
0x18: {  	s0 =	sld [smem:$0x3F9F];
	_ =	swait.ge [sflag:s4], $0x0  }
0x19: {  	s7 =	sld [smem:$0x3FA0]  }
0x1a: {  	s8 =	sadd.s32 $0xFFFFE003, lr  }
0x1b: {  	s9 =	sadd.s32 $0xFFFFFEF7, lr;
	s5 =	simm.s32 $0xFFFFFFFF;
	p2 =	slt.u32 s8, $0xFFFFF086  }
0x1c: {  	p1 =	slt.u32 s9, $0xF7A;
	s5 =	simm.s32 @!p2 $0x0  }
0x1d: {  	s5 =	simm.s32 @p1 $0x1;
	p0 =	seq.s32 s7, s2  }
0x1e: {  	s7 =	smul.u32 @!p0 $0xF7A, s2;
	p2 =	seq.s32 @!p0 s5, $0x0  }
0x1f: {  	s9 =	smul.u32 $0xF7A, s1;
	s8 =	simm.s32 @!p0 $0x1BF5;
	p2 =	por !p2, p0  }
0x20: {  	[sflag:s8] =	ssyncset.s32 @!p0 $0xFFFFF086;
	s6 =	sadd.s32 @!p0 s3, s7;
	s7 =	simm.s32 @!p0 $0x108  }
0x21: {  	s3 =	sadd.s32 s3, s9;
	s6 =	sadd.s32 @!p0 $0x88, s6;
	s7 =	simm.s32 @p2 $0x1082  }
0x22: {  	[simem:s7], [sflag:s8] =	dma.local @!p0 [hbm:s6], $0xF7A  }
0x23: {  	s9 =	sor.u32 $0xD0000000, s2;
	s6 =	simm.s32 $0x108;
	_ =	swait.ge @!p0 [sflag:s8], $0x0  }
0x24: {  	s3 =	sadd.s32 $0x88, s3;
	s6 =	simm.s32 @!p1 $0x1082;
	[sflag:s4] =	ssyncset.s32 $0xFFFFF086  }
0x25: {  	[simem:s6], [sflag:s4] =	dma.local [hbm:s3], $0xF7A  }
0x26: {  	[smem:$0x3FA0] =	sst s1;
	(tag) =	ssettag s2;
	_ =	strace s9  }
0x27: {  	s1 =	sld [smem:$0x3FB0]  }
0x28: {  	s2 =	sld [smem:$0x3FB1]  }
0x29: {  	s4 =	sld [smem:$0x3FB3]  }
0x2a: {  	p0 =	seq.s32 s5, $0x0;
	s5 =	sld [smem:$0x3FB4]  }
0x2b: {  	s6 =	sld [smem:$0x3FB5]  }
0x2c: {  	s7 =	sld [smem:$0x3FB6]  }
0x2d: {  	s3 =	simm.s32 $0x108;
	s8 =	sld [smem:$0x3FB7]  }
0x2e: {  	s3 =	simm.s32 @!p0 $0x1082;
	s9 =	sld [smem:$0x3FB8]  }
0x2f: {  	lr =	sadd.s32 s0, s3;
	s0 =	sld [smem:$0x3FAF]  }
0x30: {  	s3 =	sld [smem:$0x3FB2]  }
0x31: {  	[smem:$0x3FBB] =	sst s10  }
0x32: {  	s10 =	sld [smem:$0x3FB9];
	_ =	sdelay $0x3  }
0x33: {  	p0 =	seq.s32 s10, $0x1;
	s10 =	sld [smem:$0x3FBB];
	_ =	sdelay $0x3  }
0x34: {  	[smem:$0x3FBB] =	sst s10  }
0x35: {  	s10 =	sld [smem:$0x3FBA];
	_ =	sdelay $0x3  }
0x36: {  	p1 =	seq.s32 s10, $0x1;
	s10 =	sld [smem:$0x3FBB];
	_ =	sdelay $0x3  }
0x37: {  	[smem:$0x3FBB] =	sst s10  }
0x38: {  	s10 =	sld [smem:$0x3FBC]  }
0x39: {  	_ = 	snop;
	(pc) =	sbr.ind lr, $3  }
0x3a: {  	_ = 	snop  }
0x3b: {  	_ = 	snop  }
0x3c: {  	p2 =	seq.s32 s10, $0x1;
	s10 =	sld [smem:$0x3FBB]  }
0x3d: {  	_ =	shalt  }
0x3e: {  	_ =	shalt  }
0x3f: {  	_ =	shalt  }
0x40: {  	_ =	shalt  }
0x41: {  	_ =	shalt  }
0x42: {  	_ =	shalt  }
0x43: {  	_ =	shalt  }
0x44: {  	_ =	shalt  }
0x45: {  	_ =	shalt  }
0x46: {  	_ =	shalt  }
0x47: {  	_ =	shalt  }
0x48: {  	_ =	shalt  }
0x49: {  	_ =	shalt  }
0x4a: {  	_ =	shalt  }
0x4b: {  	_ =	shalt  }
0x4c: {  	_ =	shalt  }
0x4d: {  	_ =	shalt  }
0x4e: {  	_ =	shalt  }
0x4f: {  	_ =	shalt  }
0x50: {  	_ =	shalt  }
0x51: {  	_ =	shalt  }
0x52: {  	_ =	shalt  }
0x53: {  	_ =	shalt  }
0x54: {  	_ =	shalt  }
0x55: {  	_ =	shalt  }
0x56: {  	_ =	shalt  }
0x57: {  	_ =	shalt  }
0x58: {  	_ =	shalt  }
0x59: {  	_ =	shalt  }
0x5a: {  	_ =	shalt  }
0x5b: {  	_ =	shalt  }
0x5c: {  	_ =	shalt  }
0x5d: {  	_ =	shalt  }
0x5e: {  	_ =	shalt  }
0x5f: {  	_ =	shalt  }
0x60: {  	_ =	shalt  }
0x61: {  	_ =	shalt  }
0x62: {  	_ =	shalt  }
0x63: {  	_ =	shalt  }
0x64: {  	_ =	shalt  }
0x65: {  	_ =	shalt  }
0x66: {  	_ =	shalt  }
0x67: {  	_ =	shalt  }
0x68: {  	_ =	shalt  }
0x69: {  	_ =	shalt  }
0x6a: {  	_ =	shalt  }
0x6b: {  	_ =	shalt  }
0x6c: {  	_ =	shalt  }
0x6d: {  	_ =	shalt  }
0x6e: {  	_ =	shalt  }
0x6f: {  	_ =	shalt  }
0x70: {  	_ =	shalt  }
0x71: {  	_ =	shalt  }
0x72: {  	_ =	shalt  }
0x73: {  	_ =	shalt  }
0x74: {  	_ =	shalt  }
0x75: {  	_ =	shalt  }
0x76: {  	_ =	shalt  }
0x77: {  	_ =	shalt  }
0x78: {  	_ =	shalt  }
0x79: {  	_ =	shalt  }
0x7a: {  	_ =	shalt  }
0x7b: {  	_ =	shalt  }
0x7c: {  	_ =	shalt  }
0x7d: {  	_ =	shalt  }
0x7e: {  	_ =	shalt  }
0x7f: {  	_ =	shalt  }
0x80: {  	_ =	shalt  }
0x81: {  	_ =	shalt  }
0x82: {  	_ =	shalt  }
0x83: {  	_ =	shalt  }
0x84: {  	_ =	shalt  }
0x85: {  	_ =	shalt  }
0x86: {  	_ =	shalt  }
0x87: {  	_ =	shalt  }
.Lfunc_end0:
.L_simem_size_0:
called_computation_lowered:
.L_overlay_start_0:
0x88: {  	s2 =	sld [smem:$0x3FD9]  }
0x89: {  	s3 =	sld [smem:$0x3FFE];
	_ =	sdelay $0x1  }
0x8a: {  	s1 =	srdreg.scid  }
0x8b: {  	s0 =	sand.u32 $0x1, s1  }
0x8c: {  	s18 =	sshll.u32 s0, $0xA;
	s2 =	sadd.s32 s3, s2  }
0x8d: {  	s2 =	sadd.s32 s2, s18  }
0x8e: {  	[smem:$0x3FC7] =	sst s2  }
0x8f: {  	_ = 	snop  }
0x90: {  	s2 =	sld [smem:$0x3FC9]  }
0x91: {  	s19 =	sld [smem:$0x3FD0];
	(tm) =	ssettm $0x1  }
0x92: {  	s4 =	sld [smem:$0x3FFB];
	_ =	sdelay $0x3  }
0x93: {  	_ =	strace s4  }
0x94: {  	s4 =	sld [smem:$0x3FFC];
	_ =	sdelay $0x3  }
0x95: {  	_ =	strace s4  }
0x96: {  	s4 =	sld [smem:$0x3FFD];
	_ =	sdelay $0x3  }
0x97: {  	_ =	strace s4  }
0x98: {  	_ =	strace $0x8FFFFFFF  }
0x99: {  	s20 =	sld [smem:$0x3FDB];
	_ =	sdelay $0x1  }
0x9a: {  	s5 =	simm.s32 $_scs_section_size  }
0x9b: {  	s6 =	simm.s32 $_size__tile_overlayer_lowered;
	s7 =	simm.s32 $_tile_overlayer_lowered  }
0x9c: {  	s23 =	simm.s32 $0x1BFF;
	s22 =	sshll.u32 s7, $0x1;
	s4 =	sadd.s32 s5, s20  }
0x9d: {  	s8 =	simm.s32 $0x0;
	s21 =	sshll.u32 s6, $0x1;
	s6 =	sadd.s32 s22, s4  }
0x9e: {  	[timem:s8], [sflag:s23] =	dma.local [hbm:s6], s21  }
0x9f: {  	_ =	swait.ge [sflag:s23], s21  }
0xa0: {  	s5 =	ssub.s32 $0x0, s21;
	[sflag:s23] =	ssyncset.done $0x0  }
0xa1: {  	[sflag:s23] =	ssyncadd.s32 s5;
	_ =	sdelay $0x1  }
0xa2: {  	s24 =	simm.s32 $0x1B8B  }
0xa3: {  	_ =	swait.ge [sflag:s24], $0x1  }
0xa4: {  	[sflag:s24] =	ssyncset.done $0x0  }
0xa5: {  	s25 =	simm.s32 $0x1B8E;
	[sflag:s24] =	ssyncadd.s32 $0xFFFFFFFF  }
0xa6: {  	s26 =	simm.s32 $execute0_lowered;
	[smem:$0x3FD2] =	sst s25  }
0xa7: {  	s5 =	sshll.u32 s26, $0x1;
	_ =	strace $0x80000046;
	[dreg:$0x1] =	wrdreg $0xFFFFFFFF  }
0xa8: {  	s28 =	simm.s32 $_size_execute0_lowered;
	s4 =	sadd.s32 s4, s5;
	[dreg:$0x0] =	wrdreg $0x0  }
0xa9: {  	s5 =	sshll.u32 s28, $0x1;
	[dreg:$0x2] =	wrdreg s4  }
0xaa: {  	[dreg:$0x3] =	wrdreg s5  }
0xab: {  	[dreg:$0x4] =	wrdreg $0xC0  }
0xac: {  	_ =	task [dreg:s8], $0x5FFFF  }
0xad: {  	[dreg:$0x1] =	wrdreg $0xFFFFFFFF  }
0xae: {  	[dreg:$0x0] =	wrdreg $0x60  }
0xaf: {  	[dreg:$0x2] =	wrdreg s2  }
0xb0: {  	[dreg:$0x3] =	wrdreg s19  }
0xb1: {  	[dreg:$0x4] =	wrdreg $0x9  }
0xb2: {  	_ =	task.clear_ibuf [dreg:s8], $0x5FFFF;
	_ =	strace $0x90000046  }
0xb3: {  	s29 =	simm.s32 $0x9;
	_ =	strace $0x80000048  }
0xb4: {  	_ =	swait.ge [sflag:s29], $0x1  }
0xb5: {  	[sflag:s29] =	ssyncadd.s32 $0xFFFFFFFF  }
0xb6: {  	_ =	strace $0x90000048  }
0xb7: {  	_ =	sfence  }
0xb8: {  	s30 =	sld [smem:$0x0];
	_ =	sdelay $0x2  }
0xb9: {  	s31 =	sshll.u32 s1, $0xD;
	s1 =	sshrl.u32 s1, $0x2  }
0xba: {  	s3 =	sand.u32 $0x4000, s31;
	s1 =	sadd.s32 s1, s30  }
0xbb: {  	s0 =	sor.u32 s3, s0;
	s1 =	sshll.u32 s1, $0x11  }
0xbc: {  	s0 =	sor.u32 s1, s0  }
0xbd: {  	s0 =	sadd.s32 $0x8F2B, s0  }
0xbe: {  	[sflag:s0] =	ssyncadd.remote.s32 $0x1  }
0xbf: {  	_ =	sfence.sel $0xFFFF  }
0xc0: {  	[dreg:$0x0] =	wrdreg $0xFFFFFFFF;
	(pc) =	sbr.abs _section_cstart, $3  }
0xc1: {  	[dreg:$0x1] =	wrdreg $0xFFFFFFFF  }
0xc2: {  	_ =	task.clear_ibuf [dreg:s8], $0x2FFFF;
	_ =	strace $0x9FFFFFFF  }
0xc3: {  	(tm) =	ssettm $0x7FFFFFFF  }
tec
execute0_lowered:
.L_overlay_start_1:
0x0: {  	(tag) =	ssettag $0x1  }
0x1: {  	s1 =	srdreg.scid  }
0x2: {  	s0 =	stileid.u32;
	s5 =	rddreg [dreg:$0x0]  }
0x3: {  	s6 =	rddreg [dreg:$0x1];
	s9 =	simm.s32 $0x400;
	s3 =	sand.u32 $0x1, s1  }
0x4: {  	s10 =	simm.s32 $0x1;
	s2 =	sshll.u32 s0, $0x1;
	s1 =	sshll.u32 s3, $0x5  }
0x5: {  	s11 =	simm.s32 $0x18700;
	s12 =	simm.s32 $0x19700;
	s1 =	sor.u32 s2, s1  }
0x6: {  	s13 =	simm.s32 $0x0;
	s7 =	sshll.u32 s0, $0x8;
	s2 =	sshrl.u32 s1, $0x3  }
0x7: {  	s3 =	ssub.s32 $0x2, s3;
	s7 =	sand.u32 $0x300, s7;
	s4 =	smul.u32 $0xC3800, s2  }
0x8: {  	s8 =	sshrl.u32 s3, $0x1;
	s1 =	rddreg [dreg:$0x2];
	s2 =	simm.s32 $0x0  }
0x9: {  	s30 =	ssub.s32 s3, s8;
	[smem:$0x7FF] =	sst s2;
	s4 =	sor.u32 s7, s4  }
0xa: {  	_ =	strace $0x80000047;
	s7 =	smax.u32 s30, $0x1;
	s31 =	sshrl.u32 s4, $0x3  }
0xb: {  	s3 =	sadd.s32 s5, s31;
	s4 =	sadd.s32 s6, s31;
	s8 =	sor.u32 $0x10, s31  }
0xc: {  	v0 =	vimm.f32 $0.0e+00;
	s5 =	sadd.s32 s5, s8;
	s6 =	sadd.s32 s6, s8;
	s8 =	simm.s32 $0x80  }
.LBB2_1:
0xd: {  	[tilespmem:s2], [sflag:$0x1] =	stream.strided.gather [hbm4b:s3+s8], $0x18700, s9, s8, $0x38;
	[tilespmem:$0x1A700] =	vst v63  }
0xe: {  	_ =	swait.ge [sflag:s10], $0x18700  }
0xf: {  	[sflag:s10] =	ssyncset.done $0x0  }
0x10: {  	s15 =	simm.s32 $0x18780;
	[sflag:s10] =	ssyncadd.s32 $0xFFFE7900  }
0x11: {  	[tilespmem:s15+$0xFFFFFF90] =	vst v0  }
0x12: {  	[tilespmem:s15+$0xFFFFFFA0] =	vst v0  }
0x13: {  	[tilespmem:s15+$0xFFFFFFB0] =	vst v0  }
0x14: {  	[tilespmem:s15+$0xFFFFFFC0] =	vst v0  }
0x15: {  	[tilespmem:s15+$0xFFFFFFD0] =	vst v0  }
0x16: {  	[tilespmem:s15+$0xFFFFFFE0] =	vst v0  }
0x17: {  	[tilespmem:s15+$0xFFFFFFF0] =	vst v0  }
0x18: {  	[tilespmem:s15+$0x0] =	vst v0  }
0x19: {  	[tilespmem:s15+$0x10] =	vst v0  }
0x1a: {  	[tilespmem:s15+$0x20] =	vst v0  }
0x1b: {  	[tilespmem:s15+$0x30] =	vst v0  }
0x1c: {  	[tilespmem:s15+$0x40] =	vst v0  }
0x1d: {  	[tilespmem:s15+$0x50] =	vst v0  }
0x1e: {  	[tilespmem:s15+$0x60] =	vst v0  }
0x1f: {  	[tilespmem:s15+$0x70] =	vst v0  }
0x20: {  	s14 =	simm.s32 $0x19780;
	[tilespmem:s15+$0xFFFFFF80] =	vst v0  }
0x21: {  	[tilespmem:s14+$0xFFFFFF90] =	vst v0  }
0x22: {  	[tilespmem:s14+$0xFFFFFFA0] =	vst v0  }
0x23: {  	[tilespmem:s14+$0xFFFFFFB0] =	vst v0  }
0x24: {  	[tilespmem:s14+$0xFFFFFFC0] =	vst v0  }
0x25: {  	[tilespmem:s14+$0xFFFFFFD0] =	vst v0  }
0x26: {  	[tilespmem:s14+$0xFFFFFFE0] =	vst v0  }
0x27: {  	[tilespmem:s14+$0xFFFFFFF0] =	vst v0  }
0x28: {  	[tilespmem:s14+$0x0] =	vst v0  }
0x29: {  	[tilespmem:s14+$0x10] =	vst v0  }
0x2a: {  	[tilespmem:s14+$0x20] =	vst v0  }
0x2b: {  	[tilespmem:s14+$0x30] =	vst v0  }
0x2c: {  	[tilespmem:s14+$0x40] =	vst v0  }
0x2d: {  	[tilespmem:s14+$0x50] =	vst v0  }
0x2e: {  	[tilespmem:s14+$0x60] =	vst v0  }
0x2f: {  	[tilespmem:s14+$0x70] =	vst v0  }
0x30: {  	s16 =	simm.s32 $0x0;
	s17 =	simm.s32 $0x18880;
	s15 =	simm.s32 $0x50;
	[tilespmem:s14+$0xFFFFFF80] =	vst v0  }
.LBB2_2:
0x31: {  	[tilespmem:s17+$0xFFFFFF90] =	vst v0;
	s14 =	sadd.s32 $0x100, s14  }
0x32: {  	[tilespmem:s14+$0xFFFFFF90] =	vst v0  }
0x33: {  	[tilespmem:s17+$0xFFFFFFA0] =	vst v0  }
0x34: {  	[tilespmem:s14+$0xFFFFFFA0] =	vst v0  }
0x35: {  	[tilespmem:s17+$0xFFFFFFB0] =	vst v0  }
0x36: {  	[tilespmem:s14+$0xFFFFFFB0] =	vst v0  }
0x37: {  	[tilespmem:s17+$0xFFFFFFC0] =	vst v0  }
0x38: {  	[tilespmem:s14+$0xFFFFFFC0] =	vst v0  }
0x39: {  	[tilespmem:s17+$0xFFFFFFD0] =	vst v0  }
0x3a: {  	[tilespmem:s14+$0xFFFFFFD0] =	vst v0  }
0x3b: {  	[tilespmem:s17+$0xFFFFFFE0] =	vst v0  }
0x3c: {  	[tilespmem:s14+$0xFFFFFFE0] =	vst v0  }
0x3d: {  	[tilespmem:s17+$0xFFFFFFF0] =	vst v0  }
0x3e: {  	[tilespmem:s14+$0xFFFFFFF0] =	vst v0  }
0x3f: {  	[tilespmem:s17+$0x0] =	vst v0  }
0x40: {  	[tilespmem:s14+$0x0] =	vst v0  }
0x41: {  	[tilespmem:s17+$0x10] =	vst v0  }
0x42: {  	[tilespmem:s14+$0x10] =	vst v0  }
0x43: {  	[tilespmem:s17+$0x20] =	vst v0  }
0x44: {  	[tilespmem:s14+$0x20] =	vst v0  }
0x45: {  	[tilespmem:s17+$0x30] =	vst v0  }
0x46: {  	[tilespmem:s14+$0x30] =	vst v0  }
0x47: {  	[tilespmem:s17+$0x40] =	vst v0  }
0x48: {  	[tilespmem:s14+$0x40] =	vst v0  }
0x49: {  	[tilespmem:s17+$0x50] =	vst v0  }
0x4a: {  	s16 =	sadd.s32 $0x10, s16;
	[tilespmem:s14+$0x50] =	vst v0  }
0x4b: {  	p0 =	slt.u32 s16, $0xF0;
	[tilespmem:s17+$0x60] =	vst v0  }
.Ltmp0:
0x4c: {  	[tilespmem:s14+$0x60] =	vst v0;
	(pc) =	sbr.rel @p0 .LBB2_2-.Ltmp0, $4  }
0x4d: {  	[tilespmem:s17+$0x70] =	vst v0  }
0x4e: {  	[tilespmem:s14+$0x70] =	vst v0  }
0x4f: {  	s18 =	simm.s32 $0x0;
	[tilespmem:s17+$0xFFFFFF80] =	vst v0  }
0x50: {  	s17 =	sadd.s32 $0x100, s17;
	[tilespmem:s14+$0xFFFFFF80] =	vst v0  }
0x51: {  	v2 =	vld [tilespmem:s15+$0x40]  }
0x52: {  	v4 =	vld [tilespmem:s15+$0xFFFFFFC0]  }
0x53: {  	v6 =	vld [tilespmem:s15+$0xFFFFFFD0]  }
0x54: {  	s14 =	sand.u32 $0x1FFE0, s18;
	v7 =	vld [tilespmem:s15+$0xFFFFFFE0]  }
0x55: {  	v3 =	vld [tilespmem:s14+$0x80]  }
0x56: {  	v11 =	vld [tilespmem:s15+$0xFFFFFFF0]  }
0x57: {  	v14 =	vld [tilespmem:s15+$0x10]  }
0x58: {  	v13 =	vld [tilespmem:s15+$0x0];
	v1 =	vmul.f32 $1.442695020e+00, v2  }
0x59: {  	v8 =	vmul.f32 $1.442695020e+00, v4;
	v10 =	vmul.f32 $1.442695020e+00, v6  }
0x5a: {  	v15 =	vmul.f32 $1.442695020e+00, v7;
	v5 =	vmul.f32 $1.442695020e+00, v3  }
0x5b: {  	v9 =	vshra.s32 v4, $0x1F;
	v17 =	vmul.f32 $1.442695020e+00, v11;
	(erf) = vpow2.f32 v1  }
0x5c: {  	v12 =	vshra.s32 v2, $0x1F;
	v61 =	vmul.f32 $1.442695020e+00, v14;
	(erf) = vpow2.f32 v5;
	v5 =	vld [tilespmem:s15+$0xFFFFFFB0]  }
0x5d: {  	v20 =	vshra.s32 v7, $0x1F;
	v21 =	vshra.s32 v13, $0x1F;
	v22 =	vshra.s32 v14, $0x1F  }
0x5e: {  	v16 =	vshra.s32 v3, $0x1F;
	v12 =	vand.u32 $0x7FF00000, v12;
	v9 =	vand.u32 $0x7FF00000, v9  }
0x5f: {  	v62 =	vand.u32 $0x7FF00000, v20;
	v16 =	vand.u32 $0x7FF00000, v16;
	v2 =	vxor.u32 v2, v12  }
0x60: {  	v1 =	vld [tilespmem:s15+$0x20];
	v12 =	vmul.f32 $1.442695020e+00, v13;
	v3 =	vxor.u32 v3, v16;
	(erf) = vpow2.f32 v8  }
0x61: {  	v2 =	vshrl.u32 v2, $0x14;
	(erf) = vpow2.f32 v10;
	v8 =	vmul.f32 $1.442695020e+00, v5  }
0x62: {  	v3 =	vshrl.u32 v3, $0x14;
	v2 =	vxor.u32 $0x800, v2;
	(erf) = vpow2.f32 v15  }
0x63: {  	v63 =	vand.u32 $0x7FF00000, v21;
	v3 =	vxor.u32 $0x800, v3;
	(erf) = vpow2.f32 v8  }
0x64: {  	v10 =	vshra.s32 v6, $0x1F;
	v15 =	vshra.s32 v11, $0x1F;
	(erf) = vpow2.f32 v17  }
0x65: {  	v10 =	vand.u32 $0x7FF00000, v10;
	v18 =	vmul.f32 $1.442695020e+00, v1;
	(erf) = vpow2.f32 v12  }
0x66: {  	v23 =	vshra.s32 v1, $0x1F;
	v19 =	vshra.s32 v5, $0x1F;
	v12 =	vpop (erf);
	(erf) = vpow2.f32 v61  }
0x67: {  	v15 =	vand.u32 $0x7FF00000, v15;
	v8 =	vand.u32 $0x7FF00000, v19;
	[tilespmem:v2+s11+$0x0] =	vst.idx.add.f32.msk $0xffff, v12;
	v2 =	vpop (erf);
	(erf) = vpow2.f32 v18  }
0x68: {  	v10 =	vxor.u32 v6, v10;
	v11 =	vxor.u32 v11, v15;
	v8 =	vxor.u32 v5, v8  }
0x69: {  	s16 =	simm.s32 $0x0;
	s17 =	simm.s32 $0xA0;
	v5 =	vand.u32 $0x7FF00000, v23;
	v12 =	vxor.u32 v4, v9;
	[tilespmem:v3+s11+$0x0] =	vst.idx.add.f32.msk $0xffff, v2;
	v2 =	vand.u32 $0x7FF00000, v22;
	v3 =	vpop (erf)  }
0x6a: {  	s18 =	simm.s32 $0xF0;
	s14 =	simm.s32 $0xC0;
	s15 =	simm.s32 $0x18760;
	v9 =	vxor.u32 v7, v62;
	v7 =	vxor.u32 v13, v63;
	v6 =	vxor.u32 v14, v2;
	v4 =	vpop (erf)  }
.LBB2_4:
0x6b: {  	s19 =	sand.u32 $0x1FFE0, s17;
	v13 =	vld [tilespmem:s18+$0x40];
	s16 =	sadd.s32 $0xA, s16;
	v2 =	vshrl.u32 v8, $0x14;
	v8 =	vshrl.u32 v12, $0x14;
	v1 =	vxor.u32 v1, v5;
	v5 =	vpop (erf)  }
0x6c: {  	v10 =	vshrl.u32 v10, $0x14;
	v9 =	vshrl.u32 v9, $0x14;
	v11 =	vshrl.u32 v11, $0x14;
	v12 =	vld [tilespmem:s19+$0x80];
	p0 =	slt.u32 s16, $0x1860;
	v14 =	vpop (erf)  }
0x6d: {  	v7 =	vshrl.u32 v7, $0x14;
	v6 =	vshrl.u32 v6, $0x14;
	v1 =	vshrl.u32 v1, $0x14;
	v15 =	vld [tilespmem:s18+$0xFFFFFFC0];
	v16 =	vpop (erf)  }
0x6e: {  	v18 =	vxor.u32 $0x800, v2;
	v8 =	vxor.u32 $0x800, v8;
	v10 =	vxor.u32 $0x800, v10;
	v17 =	vld [tilespmem:s18+$0xFFFFFFD0];
	v19 =	vpop (erf)  }
0x6f: {  	v9 =	vxor.u32 $0x800, v9;
	v11 =	vxor.u32 $0x800, v11;
	v7 =	vxor.u32 $0x800, v7;
	v20 =	vld [tilespmem:s18+$0xFFFFFFE0];
	v21 =	vpop (erf)  }
0x70: {  	v6 =	vxor.u32 $0x800, v6;
	v24 =	vxor.u32 $0x800, v1;
	v22 =	vld [tilespmem:s18+$0xFFFFFFF0];
	v23 =	vmul.f32 $1.442695020e+00, v13;
	v25 =	vpop (erf)  }
0x71: {  	v2 =	vimm.f32 $0.0e+00;
	v26 =	vld [tilespmem:s18+$0x0];
	v27 =	vmul.f32 $1.442695020e+00, v12  }
0x72: {  	v28 =	vmul.f32 $1.442695020e+00, v15;
	v29 =	vshra.s32 v15, $0x1F;
	v30 =	vld [tilespmem:s18+$0x10];
	(erf) = vpow2.f32 v23  }
0x73: {  	v31 =	vshra.s32 v13, $0x1F;
	v23 =	vmul.f32 $1.442695020e+00, v17;
	v1 =	vld [tilespmem:s18+$0x20];
	(erf) = vpow2.f32 v27  }
0x74: {  	v33 =	vshra.s32 v12, $0x1F;
	v31 =	vand.u32 $0x7FF00000, v31;
	v27 =	vld [tilespmem:s18+$0xFFFFFFB0];
	v32 =	vmul.f32 $1.442695020e+00, v20  }
0x75: {  	v33 =	vand.u32 $0x7FF00000, v33;
	v13 =	vxor.u32 v13, v31;
	v34 =	vmul.f32 $1.442695020e+00, v22;
	[tilespmem:v18+s11+$0x0] =	vst.idx.add.f32.msk $0xffff, v14  }
0x76: {  	v12 =	vxor.u32 v12, v33;
	v13 =	vshrl.u32 v13, $0x14;
	v14 =	vmul.f32 $1.442695020e+00, v26;
	[tilespmem:v8+s11+$0x0] =	vst.idx.add.f32.msk $0xffff, v3  }
0x77: {  	v8 =	vshrl.u32 v12, $0x14;
	v12 =	vxor.u32 $0x800, v13;
	v3 =	vmul.f32 $1.442695020e+00, v30;
	[tilespmem:v10+s11+$0x0] =	vst.idx.add.f32.msk $0xffff, v4  }
0x78: {  	v8 =	vxor.u32 $0x800, v8;
	v4 =	vmul.f32 $1.442695020e+00, v1;
	(erf) = vpow2.f32 v28;
	[tilespmem:v9+s11+$0x0] =	vst.idx.add.f32.msk $0xffff, v5  }
0x79: {  	v18 =	vmul.f32 $1.442695020e+00, v27;
	v9 =	vshra.s32 v27, $0x1F;
	(erf) = vpow2.f32 v23;
	[tilespmem:v11+s11+$0x0] =	vst.idx.add.f32.msk $0xffff, v16  }
0x7a: {  	v10 =	vshra.s32 v17, $0x1F;
	v11 =	vshra.s32 v20, $0x1F;
	(erf) = vpow2.f32 v32;
	[tilespmem:v7+s11+$0x0] =	vst.idx.add.f32.msk $0xffff, v19  }
0x7b: {  	v13 =	vshra.s32 v26, $0x1F;
	v7 =	vshra.s32 v22, $0x1F;
	(erf) = vpow2.f32 v18;
	v5 =	vpop (erf);
	[tilespmem:v6+s11+$0x0] =	vst.idx.add.f32.msk $0xffff, v21  }
0x7c: {  	v16 =	vshra.s32 v1, $0x1F;
	v6 =	vshra.s32 v30, $0x1F;
	[tilespmem:v12+s11+$0x0] =	vst.idx.add.f32.msk $0xffff, v5;
	(erf) = vpow2.f32 v34;
	v5 =	vpop (erf)  }
0x7d: {  	v9 =	vand.u32 $0x7FF00000, v9;
	v12 =	vand.u32 $0x7FF00000, v29;
	[tilespmem:v8+s11+$0x0] =	vst.idx.add.f32.msk $0xffff, v5;
	(erf) = vpow2.f32 v14  }
.Ltmp1:
0x7e: {  	v10 =	vand.u32 $0x7FF00000, v10;
	v11 =	vand.u32 $0x7FF00000, v11;
	(erf) = vpow2.f32 v3;
	[tilespmem:v24+s11+$0x0] =	vst.idx.add.f32.msk $0xffff, v25;
	(pc) =	sbr.rel @p0 .LBB2_4-.Ltmp1, $4  }
0x7f: {  	v13 =	vand.u32 $0x7FF00000, v13;
	v7 =	vand.u32 $0x7FF00000, v7;
	(erf) = vpow2.f32 v4  }
0x80: {  	v8 =	vxor.u32 v27, v9;
	v14 =	vand.u32 $0x7FF00000, v6;
	v5 =	vand.u32 $0x7FF00000, v16  }
0x81: {  	v10 =	vxor.u32 v17, v10;
	v12 =	vxor.u32 v15, v12;
	v9 =	vxor.u32 v20, v11;
	v3 =	vpop (erf)  }
0x82: {  	s17 =	sadd.s32 $0xA0, s17;
	s18 =	sadd.s32 $0xA0, s18;
	v11 =	vxor.u32 v22, v7;
	v7 =	vxor.u32 v26, v13;
	v6 =	vxor.u32 v30, v14;
	v4 =	vpop (erf)  }
0x83: {  	v8 =	vshrl.u32 v8, $0x14  }
0x84: {  	v12 =	vshrl.u32 v12, $0x14;
	v8 =	vxor.u32 $0x800, v8  }
0x85: {  	v10 =	vshrl.u32 v10, $0x14;
	v12 =	vxor.u32 $0x800, v12  }
0x86: {  	v9 =	vshrl.u32 v9, $0x14;
	v10 =	vxor.u32 $0x800, v10  }
0x87: {  	v13 =	vpop (erf);
	v11 =	vshrl.u32 v11, $0x14;
	v9 =	vxor.u32 $0x800, v9  }
0x88: {  	v7 =	vshrl.u32 v7, $0x14;
	v14 =	vpop (erf);
	v11 =	vxor.u32 $0x800, v11  }
0x89: {  	v1 =	vxor.u32 v1, v5;
	v5 =	vshrl.u32 v6, $0x14;
	v6 =	vxor.u32 $0x800, v7;
	[tilespmem:v8+s11+$0x0] =	vst.idx.add.f32.msk $0xffff, v14  }
0x8a: {  	v1 =	vshrl.u32 v1, $0x14;
	v5 =	vxor.u32 $0x800, v5;
	[tilespmem:v12+s11+$0x0] =	vst.idx.add.f32.msk $0xffff, v3  }
0x8b: {  	v1 =	vxor.u32 $0x800, v1;
	[tilespmem:v10+s11+$0x0] =	vst.idx.add.f32.msk $0xffff, v4  }
0x8c: {  	v3 =	vpop (erf);
	[tilespmem:v9+s11+$0x0] =	vst.idx.add.f32.msk $0xffff, v13  }
0x8d: {  	v4 =	vpop (erf);
	[tilespmem:v11+s11+$0x0] =	vst.idx.add.f32.msk $0xffff, v3  }
0x8e: {  	v3 =	vpop (erf);
	[tilespmem:v6+s11+$0x0] =	vst.idx.add.f32.msk $0xffff, v4  }
0x8f: {  	v4 =	vpop (erf);
	[tilespmem:v5+s11+$0x0] =	vst.idx.add.f32.msk $0xffff, v3  }
0x90: {  	[tilespmem:v1+s11+$0x0] =	vst.idx.add.f32.msk $0xffff, v4  }
0x91: {  	v5 =	vld [tilespmem:s15+$0x60]  }
0x92: {  	v3 =	vld [tilespmem:s15+$0x20]  }
0x93: {  	v4 =	vld [tilespmem:s15+$0x30]  }
0x94: {  	v1 =	vld [tilespmem:s15+$0x40]  }
0x95: {  	v10 =	vld [tilespmem:s15+$0xFFFFFFE0]  }
0x96: {  	v13 =	vld [tilespmem:s15+$0xFFFFFFF0]  }
0x97: {  	v7 =	vld [tilespmem:s15+$0xFFFFFFA0]  }
0x98: {  	v11 =	vld [tilespmem:s15+$0xFFFFFFB0]  }
0x99: {  	v12 =	vld [tilespmem:s15+$0xFFFFFFC0]  }
0x9a: {  	v14 =	vld [tilespmem:s15+$0xFFFFFFD0]  }
0x9b: {  	v8 =	vld [tilespmem:s15+$0x0]  }
0x9c: {  	v9 =	vld [tilespmem:s15+$0x10]  }
0x9d: {  	s30 =	sor.u32 $0x50, s14;
	v6 =	vld [tilespmem:s15+$0x50]  }
0x9e: {  	s31 =	sor.u32 $0x60, s14;
	v15 =	vadd.f32 v7, v2;
	v16 =	vadd.f32 v11, v2;
	v7 =	vld [tilespmem:s30+$0x18700]  }
0x9f: {  	s16 =	sor.u32 $0x70, s14;
	v12 =	vadd.f32 v12, v2;
	v11 =	vadd.f32 v14, v2;
	v2 =	vld [tilespmem:s31+$0x18700]  }
0xa0: {  	s15 =	simm.s32 $0x0;
	v14 =	vadd.f32 v10, v15;
	v13 =	vadd.f32 v13, v16;
	v10 =	vld [tilespmem:s16+$0x18700];
	s16 =	simm.s32 $0x18860  }
.LBB2_6:
0xa1: {  	v15 =	vld [tilespmem:s16+$0x60];
	v8 =	vadd.f32 v8, v12;
	v9 =	vadd.f32 v9, v11  }
0xa2: {  	v11 =	vadd.f32 v3, v14;
	v3 =	vld [tilespmem:s16+$0x20];
	v12 =	vadd.f32 v4, v13  }
0xa3: {  	v4 =	vld [tilespmem:s16+$0x30];
	v8 =	vadd.f32 v1, v8;
	v6 =	vadd.f32 v6, v9  }
0xa4: {  	v1 =	vld [tilespmem:s16+$0x40];
	v11 =	vadd.f32 v5, v11;
	v7 =	vadd.f32 v7, v12  }
0xa5: {  	v13 =	vld [tilespmem:s16+$0xFFFFFFE0];
	v2 =	vadd.f32 v2, v8;
	v10 =	vadd.f32 v10, v6  }
0xa6: {  	v16 =	vld [tilespmem:s16+$0xFFFFFFF0];
	v5 =	vmov v15  }
0xa7: {  	v12 =	vld [tilespmem:s16+$0xFFFFFFA0]  }
0xa8: {  	v14 =	vld [tilespmem:s16+$0xFFFFFFB0]  }
0xa9: {  	v15 =	vld [tilespmem:s16+$0xFFFFFFC0]  }
0xaa: {  	s15 =	sadd.s32 $0x4, s15;
	v17 =	vld [tilespmem:s16+$0xFFFFFFD0]  }
0xab: {  	p0 =	slt.u32 s15, $0x3C;
	v8 =	vld [tilespmem:s16+$0x0]  }
.Ltmp2:
0xac: {  	s14 =	sadd.s32 $0x100, s14;
	v9 =	vld [tilespmem:s16+$0x10];
	(pc) =	sbr.rel @p0 .LBB2_6-.Ltmp2, $4  }
0xad: {  	s17 =	sor.u32 $0x50, s14;
	v6 =	vld [tilespmem:s16+$0x50]  }
0xae: {  	v18 =	vadd.f32 v12, v11;
	v19 =	vadd.f32 v14, v7;
	v7 =	vld [tilespmem:s17+$0x18700];
	s17 =	sor.u32 $0x60, s14  }
0xaf: {  	v12 =	vadd.f32 v15, v2;
	v11 =	vadd.f32 v17, v10;
	v2 =	vld [tilespmem:s17+$0x18700];
	s17 =	sor.u32 $0x70, s14  }
0xb0: {  	s16 =	sadd.s32 $0x100, s16;
	v14 =	vadd.f32 v13, v18;
	v13 =	vadd.f32 v16, v19;
	v10 =	vld [tilespmem:s17+$0x18700]  }
0xb1: {  	_ = 	snop  }
0xb2: {  	v3 =	vadd.f32 v3, v14  }
0xb3: {  	v8 =	vadd.f32 v8, v12  }
0xb4: {  	v4 =	vadd.f32 v4, v13;
	v3 =	vadd.f32 v5, v3  }
0xb5: {  	v1 =	vadd.f32 v1, v8;
	v5 =	vadd.f32 v9, v11  }
0xb6: {  	v4 =	vadd.f32 v7, v4;
	v3 =	vadd.f32 $0.0e+00, v3  }
0xb7: {  	v1 =	vadd.f32 v2, v1  }
0xb8: {  	v5 =	vadd.f32 v6, v5;
	v2 =	vadd.f32 v4, v3;
	_ =	sdelay $0x1  }
0xb9: {  	v3 =	vadd.f32 v10, v5;
	v1 =	vadd.f32 v1, v2;
	_ =	sdelay $0x1  }
0xba: {  	v1 =	vadd.f32 v3, v1;
	_ =	sdelay $0x1  }
0xbb: {  	(xrf2) =	vadd.scan.msk.f32 $0xffff, v1;
	_ =	sdelay $0x9  }
0xbc: {  	v1, _, _ =	vpop (xrf2)  }
0xbd: {  	v1 =	vbroadcast v1, $0xF;
	_ =	sdelay $0x1  }
0xbe: {  	v2 =	vmul.f32 $-8.999999760e-01, v1;
	_ =	sdelay $0x1  }
0xbf: {  	s14 =	simm.s32 $0x0;
	v4 =	vimm.f32 $0.0e+00;
	v2 =	vadd.f32 v2, v1  }
.LBB2_8:
0xc0: {  	s15 =	sshll.u32 s14, $0x4  }
0xc1: {  	s15 =	sand.u32 $0x3FFFFFF0, s15  }
0xc2: {  	v3 =	vld [tilespmem:s15+$0x18700];
	_ =	sdelay $0x4  }
0xc3: {  	(xrf2) =	vadd.scan.msk.f32 $0xffff, v3;
	_ =	sdelay $0x9  }
0xc4: {  	v3, _, _ =	vpop (xrf2)  }
0xc5: {  	v3 =	vbroadcast v3, $0xF;
	_ =	sdelay $0x1  }
0xc6: {  	v3 =	vadd.f32 v3, v4;
	_ =	sdelay $0x1  }
0xc7: {  	vm0 =	vge.f32 v3, v2  }
0xc8: {  	v5 =	vsel vm0, $0x3F800000, v0  }
0xc9: {  	(xrf0) =	vmax.scan.msk.f32 $0xffff, v5;
	_ =	sdelay $0x5  }
0xca: {  	v5, _, _ =	vpop (xrf0)  }
0xcb: {  	(v2sf) =	vpush v5, $0xF;
	_ =	sdelay $0xe  }
0xcc: {  	s15 =	spop (v2sf)  }
0xcd: {  	p0 =	sgt.f32 s15, $0.0e+00;
	_ =	sdelay $0x1  }
0xce: {  	s16 =	simm.s32 $0x1;
	p1 =	por !p0, !p0  }
0xcf: {  	s16 =	simm.s32 @!p1 $0x0  }
0xd0: {  	s14 =	sadd.s32 s16, s14  }
0xd1: {  	p1 =	sgt.u32 s14, $0xFE  }
0xd2: {  	p2 =	sgt.f32 @!p1 s15, $0.0e+00;
	_ =	sdelay $0x1  }
0xd3: {  	p1 =	por p1, p2  }
.Ltmp3:
0xd4: {  	_ = 	snop;
	(pc) =	sbr.rel @!p1 .LBB2_8-.Ltmp3, $2  }
0xd5: {  	_ =	sdelay $0x2  }
0xd6: {  	v4 =	vpsel p0, v4, v3  }
0xd7: {  	s14 =	sshll.u32 s14, $0x4  }
0xd8: {  	s16 =	simm.s32 $0x50;
	v5 =	vld [tilespmem:s14+$0x18700]  }
0xd9: {  	v6 =	vld [tilespmem:s16+$0x40]  }
0xda: {  	v8 =	vld [tilespmem:s16+$0xFFFFFFC0]  }
0xdb: {  	s15 =	simm.s32 $0x0;
	v9 =	vld [tilespmem:s16+$0xFFFFFFD0]  }
0xdc: {  	s15 =	sand.u32 $0x1FFE0, s15;
	v15 =	vld [tilespmem:s16+$0x0]  }
0xdd: {  	v7 =	vld [tilespmem:s15+$0x80];
	(xrf2) =	vadd.scan.msk.f32 $0xffff, v5  }
0xde: {  	v17 =	vld [tilespmem:s16+$0x20]  }
0xdf: {  	v10 =	vld [tilespmem:s16+$0xFFFFFFE0];
	_ =	sdelay $0x1  }
0xe0: {  	v11 =	vmul.f32 $1.442695020e+00, v6;
	v18 =	vmul.f32 $1.442695020e+00, v9  }
0xe1: {  	v14 =	vshra.s32 v6, $0x1F;
	v20 =	vmul.f32 $1.442695020e+00, v15;
	v13 =	vmul.f32 $1.442695020e+00, v7  }
0xe2: {  	v21 =	vshra.s32 v8, $0x1F;
	v24 =	vmul.f32 $1.442695020e+00, v17;
	(erf) = vpow2.f32 v11  }
0xe3: {  	v26 =	vshra.s32 v9, $0x1F;
	v27 =	vshra.s32 v10, $0x1F;
	(erf) = vpow2.f32 v13;
	v13 =	vld [tilespmem:s16+$0xFFFFFFB0]  }
0xe4: {  	v28 =	vshra.s32 v15, $0x1F;
	v16 =	vshra.s32 v7, $0x1F;
	v14 =	vand.u32 $0x7FFFFFFF, v14  }
0xe5: {  	v29 =	vshra.s32 v17, $0x1F;
	v11 =	vld [tilespmem:s16+$0x10];
	v16 =	vand.u32 $0x7FFFFFFF, v16;
	v6 =	vxor.u32 v6, v14  }
0xe6: {  	v12 =	vld [tilespmem:s16+$0xFFFFFFF0];
	v14 =	vmul.f32 $1.442695020e+00, v8;
	v7 =	vxor.u32 v7, v16;
	v16 =	vshrl.u32 v6, $0x14;
	v3, _, _ =	vpop (xrf2)  }
0xe7: {  	v19 =	vshrl.u32 v7, $0x14;
	v7 =	vshrl.u32 v7, $0x8;
	v3 =	vadd.f32 v3, v4  }
0xe8: {  	v6 =	vshrl.u32 v6, $0x8;
	v25 =	vand.u32 $0xFFF, v7;
	v7 =	vmul.f32 $1.442695020e+00, v13  }
0xe9: {  	v22 =	vand.u32 $0xFFF, v6;
	v6 =	vmul.f32 $1.442695020e+00, v10;
	vm0 =	vge.f32 v3, v2  }
0xea: {  	v23 =	vmul.f32 $1.442695020e+00, v11;
	(erf) = vpow2.f32 v7;
	vm0 =	vmneg vm0  }
0xeb: {  	v7 =	vshra.s32 v12, $0x1F;
	(erf) = vpow2.f32 v14;
	v3 =	vmpcnt.ones.xlane vm0  }
0xec: {  	v14 =	vshra.s32 v11, $0x1F;
	v7 =	vand.u32 $0x7FFFFFFF, v7;
	(erf) = vpow2.f32 v18  }
0xed: {  	v14 =	vand.u32 $0x7FFFFFFF, v14;
	(erf) = vpow2.f32 v6;
	v3 =	vadd.s32 s14, v3  }
0xee: {  	v6 =	vand.u32 $0x7FFFFFFF, v26;
	v32 =	vxor.u32 v11, v14;
	v16 =	vxor.u32 v3, v16  }
0xef: {  	v19 =	vxor.u32 v3, v19;
	vm2 =	veq.s32 v16, $0x800;
	v16 =	vmul.f32 $1.442695020e+00, v12  }
0xf0: {  	v26 =	vxor.u32 v9, v6;
	vm1 =	veq.s32 v19, $0x800;
	v19 =	vshra.s32 v13, $0x1F  }
0xf1: {  	v18 =	vand.u32 $0x7FFFFFFF, v19;
	v19 =	vand.u32 $0x7FFFFFFF, v21;
	(erf) = vpow2.f32 v16  }
0xf2: {  	v21 =	vand.u32 $0x7FFFFFFF, v27;
	v27 =	vshrl.u32 v32, $0x14;
	(erf) = vpow2.f32 v20  }
0xf3: {  	v16 =	vand.u32 $0x7FFFFFFF, v28;
	v13 =	vxor.u32 v13, v18;
	(erf) = vpow2.f32 v23  }
0xf4: {  	v19 =	vxor.u32 v8, v19;
	v10 =	vxor.u32 v10, v21;
	(erf) = vpow2.f32 v24;
	v24 =	vpop (erf)  }
0xf5: {  	v20 =	vand.u32 $0x7FFFFFFF, v29;
	v29 =	vxor.u32 v12, v7;
	v31 =	vxor.u32 v15, v16;
	v30 =	vpop (erf)  }
0xf6: {  	v9 =	vshrl.u32 v13, $0x14;
	v11 =	vshrl.u32 v19, $0x14;
	v12 =	vshrl.u32 v26, $0x14;
	v6 =	vpop (erf)  }
0xf7: {  	v14 =	vshrl.u32 v10, $0x14;
	v33 =	vxor.u32 v17, v20;
	v17 =	vshrl.u32 v29, $0x14;
	v7 =	vpop (erf)  }
0xf8: {  	v23 =	vshrl.u32 v31, $0x14;
	v15 =	vxor.u32 v3, v9;
	v21 =	vxor.u32 v3, v11;
	v8 =	vpop (erf)  }
0xf9: {  	v20 =	vxor.u32 v3, v12;
	v16 =	vxor.u32 v3, v14;
	v14 =	vxor.u32 v3, v27;
	v9 =	vpop (erf)  }
0xfa: {  	v27 =	vshrl.u32 v13, $0x8;
	v28 =	vshrl.u32 v33, $0x14;
	v18 =	vxor.u32 v3, v17;
	v11 =	vpop (erf)  }
0xfb: {  	v17 =	vxor.u32 v3, v23;
	v23 =	vshrl.u32 v19, $0x8;
	v19 =	vxor.u32 v3, v28;
	v12 =	vpop (erf)  }
0xfc: {  	[tilespmem:v22+s12+$0x0] =	vst.idx.add.f32.msk vm2, v24;
	v28 =	vshrl.u32 v26, $0x8;
	v26 =	vshrl.u32 v10, $0x8;
	v24 =	vshrl.u32 v29, $0x8;
	v13 =	vpop (erf)  }
0xfd: {  	s15 =	simm.s32 $0xA0;
	s16 =	simm.s32 $0xF0;
	s14 =	simm.s32 $0x0;
	v29 =	vshrl.u32 v31, $0x8;
	v22 =	vshrl.u32 v33, $0x8;
	[tilespmem:v25+s12+$0x0] =	vst.idx.add.f32.msk vm1, v30;
	v25 =	vshrl.u32 v32, $0x8;
	v10 =	vpop (erf)  }
.LBB2_10:
0xfe: {  	s17 =	sand.u32 $0x1FFE0, s15;
	v30 =	vld [tilespmem:s16+$0x40];
	s14 =	sadd.s32 $0xA, s14;
	vm8 =	veq.s32 v15, $0x800;
	vm7 =	veq.s32 v21, $0x800;
	vm6 =	veq.s32 v20, $0x800  }
0xff: {  	vm5 =	veq.s32 v16, $0x800;
	vm4 =	veq.s32 v18, $0x800;
	vm3 =	veq.s32 v17, $0x800;
	v15 =	vld [tilespmem:s17+$0x80];
	p0 =	slt.u32 s14, $0x1860  }
0x100: {  	v17 =	vand.u32 $0xFFF, v27;
	vm2 =	veq.s32 v14, $0x800;
	vm1 =	veq.s32 v19, $0x800;
	v16 =	vld [tilespmem:s16+$0xFFFFFFC0]  }
0x101: {  	v18 =	vand.u32 $0xFFF, v23;
	v19 =	vand.u32 $0xFFF, v28;
	v20 =	vand.u32 $0xFFF, v26;
	v14 =	vld [tilespmem:s16+$0xFFFFFFD0]  }
0x102: {  	v23 =	vand.u32 $0xFFF, v24;
	v24 =	vand.u32 $0xFFF, v29;
	v25 =	vand.u32 $0xFFF, v25;
	v21 =	vld [tilespmem:s16+$0xFFFFFFE0]  }
0x103: {  	v22 =	vand.u32 $0xFFF, v22;
	v26 =	vld [tilespmem:s16+$0xFFFFFFF0];
	v27 =	vmul.f32 $1.442695020e+00, v30  }
0x104: {  	v31 =	vshra.s32 v30, $0x1F;
	v28 =	vld [tilespmem:s16+$0x0];
	v29 =	vmul.f32 $1.442695020e+00, v15  }
0x105: {  	v33 =	vshra.s32 v15, $0x1F;
	v31 =	vand.u32 $0x7FFFFFFF, v31;
	v32 =	vld [tilespmem:s16+$0x10];
	(erf) = vpow2.f32 v27  }
0x106: {  	v33 =	vand.u32 $0x7FFFFFFF, v33;
	v30 =	vxor.u32 v30, v31;
	v27 =	vld [tilespmem:s16+$0x20];
	(erf) = vpow2.f32 v29  }
0x107: {  	v31 =	vmul.f32 $1.442695020e+00, v16;
	v15 =	vxor.u32 v15, v33;
	v33 =	vshrl.u32 v30, $0x14;
	v29 =	vld [tilespmem:s16+$0xFFFFFFB0]  }
0x108: {  	v34 =	vmul.f32 $1.442695020e+00, v14;
	v35 =	vshrl.u32 v15, $0x14;
	v33 =	vxor.u32 v3, v33;
	[tilespmem:v17+s12+$0x0] =	vst.idx.add.f32.msk vm8, v6  }
0x109: {  	v6 =	vxor.u32 v3, v35;
	v17 =	vshrl.u32 v30, $0x8;
	vm8 =	veq.s32 v33, $0x800;
	[tilespmem:v18+s12+$0x0] =	vst.idx.add.f32.msk vm7, v7  }
0x10a: {  	v7 =	vshrl.u32 v15, $0x8;
	vm7 =	veq.s32 v6, $0x800;
	v6 =	vand.u32 $0xFFF, v17;
	[tilespmem:v19+s12+$0x0] =	vst.idx.add.f32.msk vm6, v8  }
0x10b: {  	v15 =	vmul.f32 $1.442695020e+00, v26;
	v8 =	vmul.f32 $1.442695020e+00, v21;
	v7 =	vand.u32 $0xFFF, v7;
	[tilespmem:v20+s12+$0x0] =	vst.idx.add.f32.msk vm5, v9  }
0x10c: {  	v18 =	vmul.f32 $1.442695020e+00, v28;
	v30 =	vmul.f32 $1.442695020e+00, v29;
	v17 =	vshra.s32 v29, $0x1F;
	[tilespmem:v23+s12+$0x0] =	vst.idx.add.f32.msk vm4, v11  }
0x10d: {  	v19 =	vmul.f32 $1.442695020e+00, v32;
	v20 =	vmul.f32 $1.442695020e+00, v27;
	v11 =	vshra.s32 v16, $0x1F;
	[tilespmem:v24+s12+$0x0] =	vst.idx.add.f32.msk vm3, v12  }
0x10e: {  	v23 =	vshra.s32 v21, $0x1F;
	v12 =	vshra.s32 v14, $0x1F;
	(erf) = vpow2.f32 v30;
	v9 =	vpop (erf);
	[tilespmem:v25+s12+$0x0] =	vst.idx.add.f32.msk vm2, v13  }
0x10f: {  	v24 =	vshra.s32 v28, $0x1F;
	v13 =	vshra.s32 v26, $0x1F;
	[tilespmem:v6+s12+$0x0] =	vst.idx.add.f32.msk vm8, v9;
	(erf) = vpow2.f32 v31;
	v6 =	vpop (erf)  }
0x110: {  	v25 =	vshra.s32 v27, $0x1F;
	v9 =	vshra.s32 v32, $0x1F;
	[tilespmem:v7+s12+$0x0] =	vst.idx.add.f32.msk vm7, v6;
	(erf) = vpow2.f32 v34  }
0x111: {  	v6 =	vand.u32 $0x7FFFFFFF, v17;
	v7 =	vand.u32 $0x7FFFFFFF, v11;
	(erf) = vpow2.f32 v8;
	[tilespmem:v22+s12+$0x0] =	vst.idx.add.f32.msk vm1, v10  }
0x112: {  	v8 =	vand.u32 $0x7FFFFFFF, v12;
	v10 =	vand.u32 $0x7FFFFFFF, v23;
	(erf) = vpow2.f32 v15  }
0x113: {  	v11 =	vand.u32 $0x7FFFFFFF, v13;
	v12 =	vand.u32 $0x7FFFFFFF, v24;
	(erf) = vpow2.f32 v18  }
0x114: {  	v9 =	vand.u32 $0x7FFFFFFF, v9;
	v13 =	vand.u32 $0x7FFFFFFF, v25;
	(erf) = vpow2.f32 v19  }
0x115: {  	v22 =	vxor.u32 v16, v7;
	v19 =	vxor.u32 v29, v6;
	(erf) = vpow2.f32 v20  }
0x116: {  	v25 =	vxor.u32 v26, v11;
	v24 =	vxor.u32 v14, v8;
	v10 =	vxor.u32 v21, v10  }
0x117: {  	v30 =	vxor.u32 v32, v9;
	v31 =	vxor.u32 v27, v13;
	v29 =	vxor.u32 v28, v12;
	v6 =	vpop (erf)  }
0x118: {  	v11 =	vshrl.u32 v22, $0x14;
	v12 =	vshrl.u32 v24, $0x14;
	v16 =	vshrl.u32 v19, $0x14;
	v7 =	vpop (erf)  }
0x119: {  	v14 =	vshrl.u32 v25, $0x14;
	v13 =	vshrl.u32 v10, $0x14;
	v17 =	vshrl.u32 v29, $0x14;
	v8 =	vpop (erf)  }
0x11a: {  	v23 =	vshrl.u32 v30, $0x14;
	v26 =	vshrl.u32 v31, $0x14;
	v15 =	vxor.u32 v3, v16;
	v9 =	vpop (erf)  }
.Ltmp4:
0x11b: {  	v21 =	vxor.u32 v3, v11;
	v20 =	vxor.u32 v3, v12;
	v16 =	vxor.u32 v3, v13;
	v11 =	vpop (erf);
	(pc) =	sbr.rel @p0 .LBB2_10-.Ltmp4, $4  }
0x11c: {  	v18 =	vxor.u32 v3, v14;
	v14 =	vxor.u32 v3, v23;
	v17 =	vxor.u32 v3, v17;
	v12 =	vpop (erf)  }
0x11d: {  	v23 =	vshrl.u32 v22, $0x8;
	v27 =	vshrl.u32 v19, $0x8;
	v19 =	vxor.u32 v3, v26;
	v13 =	vpop (erf)  }
0x11e: {  	v28 =	vshrl.u32 v24, $0x8;
	v24 =	vshrl.u32 v25, $0x8;
	v26 =	vshrl.u32 v10, $0x8;
	v10 =	vpop (erf)  }
0x11f: {  	s15 =	sadd.s32 $0xA0, s15;
	s16 =	sadd.s32 $0xA0, s16;
	v22 =	vshrl.u32 v31, $0x8;
	v25 =	vshrl.u32 v30, $0x8;
	v29 =	vshrl.u32 v29, $0x8  }
0x120: {  	v5 =	vnsel vm0, $0x0, v5  }
0x121: {  	vm14 =	veq.s32 v15, $0x800;
	(xrf2) =	vadd.scan.msk.f32 $0xffff, v5  }
0x122: {  	vm1 =	veq.s32 v21, $0x800;
	v5 =	vand.u32 $0xFFF, v27  }
0x123: {  	vm2 =	veq.s32 v20, $0x800;
	v59 =	vand.u32 $0xFFF, v23  }
0x124: {  	vm3 =	veq.s32 v16, $0x800;
	v60 =	vand.u32 $0xFFF, v28  }
0x125: {  	vm4 =	veq.s32 v18, $0x800;
	v61 =	vand.u32 $0xFFF, v26  }
0x126: {  	vm5 =	veq.s32 v17, $0x800;
	v62 =	vand.u32 $0xFFF, v24  }
0x127: {  	vm6 =	veq.s32 v14, $0x800;
	v63 =	vand.u32 $0xFFF, v29;
	[tilespmem:v5+s12+$0x0] =	vst.idx.add.f32.msk vm14, v6  }
0x128: {  	vm15 =	veq.s32 v19, $0x800;
	v5 =	vand.u32 $0xFFF, v25;
	[tilespmem:v59+s12+$0x0] =	vst.idx.add.f32.msk vm1, v7  }
0x129: {  	v6 =	vand.u32 $0xFFF, v22;
	[tilespmem:v60+s12+$0x0] =	vst.idx.add.f32.msk vm2, v8  }
0x12a: {  	[tilespmem:v61+s12+$0x0] =	vst.idx.add.f32.msk vm3, v9  }
0x12b: {  	[tilespmem:v62+s12+$0x0] =	vst.idx.add.f32.msk vm4, v11;
	v7, _, _ =	vpop (xrf2)  }
0x12c: {  	[tilespmem:v63+s12+$0x0] =	vst.idx.add.f32.msk vm5, v12;
	v7 =	vbroadcast v7, $0xF  }
0x12d: {  	[tilespmem:v5+s12+$0x0] =	vst.idx.add.f32.msk vm6, v13  }
0x12e: {  	s14 =	simm.s32 $0x0;
	[tilespmem:v6+s12+$0x0] =	vst.idx.add.f32.msk vm15, v10;
	v4 =	vadd.f32 v7, v4  }
.LBB2_12:
0x12f: {  	s15 =	sshll.u32 s14, $0x4  }
0x130: {  	s15 =	sand.u32 $0x3FFFFFF0, s15  }
0x131: {  	v5 =	vld [tilespmem:s15+$0x19700];
	_ =	sdelay $0x4  }
0x132: {  	(xrf2) =	vadd.scan.msk.f32 $0xffff, v5;
	_ =	sdelay $0x9  }
0x133: {  	v5, _, _ =	vpop (xrf2)  }
0x134: {  	v5 =	vbroadcast v5, $0xF;
	_ =	sdelay $0x1  }
0x135: {  	v5 =	vadd.f32 v5, v4;
	_ =	sdelay $0x1  }
0x136: {  	vm0 =	vge.f32 v5, v2  }
0x137: {  	v6 =	vsel vm0, $0x3F800000, v0  }
0x138: {  	(xrf0) =	vmax.scan.msk.f32 $0xffff, v6;
	_ =	sdelay $0x5  }
0x139: {  	v6, _, _ =	vpop (xrf0)  }
0x13a: {  	(v2sf) =	vpush v6, $0xF;
	_ =	sdelay $0xe  }
0x13b: {  	s15 =	spop (v2sf)  }
0x13c: {  	p0 =	sgt.f32 s15, $0.0e+00;
	_ =	sdelay $0x1  }
0x13d: {  	s16 =	simm.s32 $0x1;
	p1 =	por !p0, !p0  }
0x13e: {  	s16 =	simm.s32 @!p1 $0x0  }
0x13f: {  	s14 =	sadd.s32 s16, s14  }
0x140: {  	p1 =	sgt.u32 s14, $0xFE  }
0x141: {  	p2 =	sgt.f32 @!p1 s15, $0.0e+00;
	_ =	sdelay $0x1  }
0x142: {  	p1 =	por p1, p2  }
.Ltmp5:
0x143: {  	_ = 	snop;
	(pc) =	sbr.rel @!p1 .LBB2_12-.Ltmp5, $2  }
0x144: {  	_ =	sdelay $0x2  }
0x145: {  	v4 =	vpsel p0, v4, v5  }
0x146: {  	s15 =	sshll.u32 s14, $0x4  }
0x147: {  	v5 =	vld [tilespmem:s15+$0x19700];
	_ =	sdelay $0x4  }
0x148: {  	(xrf2) =	vadd.scan.msk.f32 $0xffff, v5;
	_ =	sdelay $0x9  }
0x149: {  	v6, _, _ =	vpop (xrf2)  }
0x14a: {  	v6 =	vadd.f32 v6, v4;
	_ =	sdelay $0x1  }
0x14b: {  	vm0 =	vge.f32 v6, v2  }
0x14c: {  	vm0 =	vmneg vm0  }
0x14d: {  	v2 =	vnsel vm0, $0x0, v5  }
0x14e: {  	(xrf2) =	vadd.scan.msk.f32 $0xffff, v2;
	_ =	sdelay $0x9  }
0x14f: {  	s16 =	simm.s32 $0x0;
	s14 =	simm.s32 $0x50;
	v2, _, _ =	vpop (xrf2)  }
0x150: {  	s16 =	sand.u32 $0x1FFE0, s16;
	v5 =	vld [tilespmem:s14+$0x40];
	v2 =	vbroadcast v2, $0xF  }
0x151: {  	v7 =	vld [tilespmem:s16+$0x80];
	v6 =	vmpcnt.ones.xlane vm0  }
0x152: {  	v8 =	vld [tilespmem:s14+$0xFFFFFFC0];
	v2 =	vadd.f32 v2, v4  }
0x153: {  	v16 =	vld [tilespmem:s14+$0xFFFFFFD0];
	v4 =	vadd.s32 s15, v6  }
0x154: {  	v17 =	vld [tilespmem:s14+$0xFFFFFFE0];
	v1 =	vsub.f32 v1, v2;
	v2 =	vshll.u32 v3, $0x14;
	v3 =	vshll.u32 v4, $0x8  }
0x155: {  	v18 =	vld [tilespmem:s14+$0xFFFFFFF0];
	v2 =	vor.u32 v2, v3;
	v3 =	vmul.f32 $1.442695020e+00, v5  }
0x156: {  	v21 =	vld [tilespmem:s14+$0x0];
	v6 =	vmul.f32 $1.442695020e+00, v7;
	(erf) = vrcp.f32 v1  }
0x157: {  	v1 =	vxor.u32 $0x80000000, v2;
	v2 =	vld [tilespmem:s14+$0x10];
	(erf) = vpow2.f32 v3  }
0x158: {  	v9 =	vmul.f32 $1.442695020e+00, v8;
	(erf) = vpow2.f32 v6;
	v6 =	vld [tilespmem:s14+$0xFFFFFFB0]  }
0x159: {  	v12 =	vmul.f32 $1.442695020e+00, v17;
	v4 =	vld [tilespmem:s14+$0x20];
	v3 =	vmul.f32 $1.442695020e+00, v16  }
0x15a: {  	(erf) = vpow2.f32 v9;
	v9 =	vmul.f32 $1.442695020e+00, v18  }
0x15b: {  	(erf) = vpow2.f32 v3;
	v3 =	vmul.f32 $1.442695020e+00, v21  }
0x15c: {  	(erf) = vpow2.f32 v12;
	v12 =	vmul.f32 $1.442695020e+00, v2  }
0x15d: {  	(erf) = vpow2.f32 v9;
	v22 =	vmul.f32 $1.442695020e+00, v6  }
0x15e: {  	v9 =	vmul.f32 $1.442695020e+00, v4;
	(erf) = vpow2.f32 v3  }
0x15f: {  	v10 =	vshra.s32 v8, $0x1F;
	v11 =	vshra.s32 v16, $0x1F;
	(erf) = vpow2.f32 v12  }
0x160: {  	v13 =	vshra.s32 v17, $0x1F;
	v12 =	vshra.s32 v5, $0x1F;
	v3 =	vpop (erf);
	(erf) = vpow2.f32 v9  }
0x161: {  	v9 =	vshra.s32 v7, $0x1F;
	v12 =	vand.u32 $0x7FFFFFFF, v12;
	(erf) = vpow2.f32 v22;
	v22 =	vpop (erf)  }
0x162: {  	v9 =	vand.u32 $0x7FFFFFFF, v9;
	v5 =	vxor.u32 v5, v12;
	v12 =	vmul.f32 v22, v3;
	v22 =	vpop (erf)  }
0x163: {  	v14 =	vshra.s32 v18, $0x1F;
	v7 =	vxor.u32 v7, v9;
	v9 =	vmul.f32 v22, v3  }
0x164: {  	v15 =	vshra.s32 v21, $0x1F;
	v24 =	vand.u32 $0x7FFFFFFF, v11;
	v25 =	vand.u32 $0x7FFFFFFF, v13  }
0x165: {  	v27 =	vand.u32 $0x7FFFFFFF, v14;
	v19 =	vshra.s32 v2, $0x1F;
	vm15 =	vlt.s32 v5, v1;
	v5 =	vpop (erf)  }
0x166: {  	v28 =	vand.u32 $0x7FFFFFFF, v15;
	vm1 =	vlt.s32 v7, v1;
	v22 =	vand.u32 $0x7FFFFFFF, v10;
	v10 =	vpop (erf)  }
0x167: {  	v17 =	vxor.u32 v17, v25;
	v23 =	vshra.s32 v6, $0x1F;
	v26 =	vsel vm1, $0x0, v9;
	v9 =	vpop (erf)  }
0x168: {  	v23 =	vand.u32 $0x7FFFFFFF, v23;
	v7 =	vsel vm15, $0x0, v12;
	v12 =	vand.u32 $0x7FFFFFFF, v19;
	v19 =	vpop (erf)  }
0x169: {  	v16 =	vxor.u32 v16, v24;
	v14 =	vxor.u32 v6, v23;
	v11 =	vmul.f32 v5, v3;
	v6 =	vpop (erf)  }
0x16a: {  	v15 =	vxor.u32 v8, v22;
	v5 =	vmul.f32 v10, v3;
	v10 =	vmul.f32 v9, v3;
	v8 =	vpop (erf)  }
0x16b: {  	v20 =	vshra.s32 v4, $0x1F;
	v9 =	vmul.f32 v19, v3;
	v6 =	vmul.f32 v6, v3;
	v19 =	vpop (erf)  }
0x16c: {  	v13 =	vand.u32 $0x7FFFFFFF, v20;
	[tilespmem:s14+$0x40] =	vst v7;
	v7 =	vmul.f32 v8, v3;
	v8 =	vmul.f32 v19, v3;
	v19 =	vpop (erf)  }
0x16d: {  	s17 =	simm.s32 $0xF0;
	s15 =	simm.s32 $0x0;
	[tilespmem:s16+$0x80] =	vst v26;
	s16 =	simm.s32 $0xA0;
	v20 =	vmul.f32 v19, v3;
	v19 =	vxor.u32 v18, v27;
	v18 =	vxor.u32 v21, v28  }
.LBB2_14:
0x16e: {  	s18 =	sand.u32 $0x1FFE0, s16;
	v21 =	vld [tilespmem:s17+$0x40];
	s15 =	sadd.s32 $0xA, s15;
	vm0 =	vlt.s32 v14, v1;
	v2 =	vxor.u32 v2, v12;
	v4 =	vxor.u32 v4, v13  }
0x16f: {  	vm1 =	vlt.s32 v15, v1;
	vm2 =	vlt.s32 v16, v1;
	vm3 =	vlt.s32 v17, v1;
	v12 =	vld [tilespmem:s18+$0x80];
	p0 =	slt.u32 s15, $0x1860  }
0x170: {  	vm4 =	vlt.s32 v19, v1;
	vm5 =	vlt.s32 v18, v1;
	vm6 =	vlt.s32 v2, v1;
	v15 =	vld [tilespmem:s17+$0xFFFFFFC0]  }
0x171: {  	v2 =	vsel vm0, $0x0, v20;
	v11 =	vsel vm1, $0x0, v11;
	vm0 =	vlt.s32 v4, v1;
	v16 =	vld [tilespmem:s17+$0xFFFFFFD0]  }
0x172: {  	v4 =	vsel vm3, $0x0, v10;
	v17 =	vld [tilespmem:s17+$0xFFFFFFE0];
	[tilespmem:s14+$0xFFFFFFB0] =	vst v2;
	v2 =	vsel vm2, $0x0, v5;
	v5 =	vsel vm4, $0x0, v9  }
0x173: {  	v6 =	vsel vm5, $0x0, v6;
	v7 =	vsel vm6, $0x0, v7;
	v18 =	vld [tilespmem:s17+$0xFFFFFFF0];
	v9 =	vmul.f32 $1.442695020e+00, v21;
	[tilespmem:s14+$0xFFFFFFC0] =	vst v11  }
0x174: {  	v8 =	vsel vm0, $0x0, v8;
	v22 =	vld [tilespmem:s17+$0x0];
	v10 =	vmul.f32 $1.442695020e+00, v12;
	[tilespmem:s14+$0xFFFFFFD0] =	vst v2  }
0x175: {  	v11 =	vmul.f32 $1.442695020e+00, v15;
	v13 =	vshra.s32 v15, $0x1F;
	v2 =	vld [tilespmem:s17+$0x10];
	(erf) = vpow2.f32 v9;
	[tilespmem:s14+$0xFFFFFFE0] =	vst v4  }
0x176: {  	v9 =	vmul.f32 $1.442695020e+00, v16;
	v14 =	vshra.s32 v16, $0x1F;
	v4 =	vld [tilespmem:s17+$0x20];
	(erf) = vpow2.f32 v10;
	[tilespmem:s14+$0xFFFFFFF0] =	vst v5  }
0x177: {  	v10 =	vld [tilespmem:s17+$0xFFFFFFB0];
	v5 =	vmul.f32 $1.442695020e+00, v17;
	v19 =	vshra.s32 v17, $0x1F;
	(erf) = vpow2.f32 v11;
	[tilespmem:s14+$0x0] =	vst v6  }
0x178: {  	v6 =	vmul.f32 $1.442695020e+00, v18;
	v11 =	vshra.s32 v18, $0x1F;
	(erf) = vpow2.f32 v9;
	[tilespmem:s14+$0x10] =	vst v7  }
0x179: {  	v7 =	vmul.f32 $1.442695020e+00, v22;
	v9 =	vshra.s32 v22, $0x1F;
	(erf) = vpow2.f32 v5;
	[tilespmem:s14+$0x20] =	vst v8;
	s14 =	smov.u32 s17  }
0x17a: {  	v5 =	vmul.f32 $1.442695020e+00, v2;
	v8 =	vshra.s32 v2, $0x1F;
	(erf) = vpow2.f32 v6  }
0x17b: {  	v6 =	vmul.f32 $1.442695020e+00, v4;
	v20 =	vshra.s32 v4, $0x1F;
	(erf) = vpow2.f32 v7  }
0x17c: {  	v24 =	vmul.f32 $1.442695020e+00, v10;
	v23 =	vshra.s32 v10, $0x1F;
	(erf) = vpow2.f32 v5  }
0x17d: {  	v5 =	vshra.s32 v21, $0x1F;
	v23 =	vand.u32 $0x7FFFFFFF, v23;
	(erf) = vpow2.f32 v6  }
0x17e: {  	v6 =	vshra.s32 v12, $0x1F;
	v26 =	vand.u32 $0x7FFFFFFF, v5;
	(erf) = vpow2.f32 v24;
	v7 =	vpop (erf)  }
0x17f: {  	v6 =	vand.u32 $0x7FFFFFFF, v6;
	v24 =	vxor.u32 v21, v26;
	v25 =	vmul.f32 v7, v3;
	v21 =	vpop (erf)  }
0x180: {  	v26 =	vxor.u32 v12, v6;
	vm0 =	vlt.s32 v24, v1;
	v12 =	vmul.f32 v21, v3;
	v5 =	vpop (erf)  }
0x181: {  	v21 =	vand.u32 $0x7FFFFFFF, v13;
	vm1 =	vlt.s32 v26, v1;
	v25 =	vsel vm0, $0x0, v25;
	v7 =	vpop (erf)  }
0x182: {  	v19 =	vand.u32 $0x7FFFFFFF, v19;
	v24 =	vand.u32 $0x7FFFFFFF, v14;
	v13 =	vsel vm1, $0x0, v12;
	[tilespmem:s17+$0x40] =	vst v25;
	v6 =	vpop (erf)  }
0x183: {  	v26 =	vand.u32 $0x7FFFFFFF, v9;
	v25 =	vand.u32 $0x7FFFFFFF, v11;
	v12 =	vand.u32 $0x7FFFFFFF, v8;
	[tilespmem:s18+$0x80] =	vst v13;
	v8 =	vpop (erf)  }
.Ltmp6:
0x184: {  	v11 =	vmul.f32 v5, v3;
	v5 =	vmul.f32 v7, v3;
	v13 =	vand.u32 $0x7FFFFFFF, v20;
	v7 =	vpop (erf);
	(pc) =	sbr.rel @p0 .LBB2_14-.Ltmp6, $4  }
0x185: {  	v14 =	vxor.u32 v10, v23;
	v10 =	vmul.f32 v6, v3;
	v9 =	vmul.f32 v8, v3;
	v8 =	vpop (erf)  }
0x186: {  	v15 =	vxor.u32 v15, v21;
	v6 =	vmul.f32 v7, v3;
	v7 =	vmul.f32 v8, v3;
	v8 =	vpop (erf)  }
0x187: {  	v17 =	vxor.u32 v17, v19;
	v16 =	vxor.u32 v16, v24;
	v8 =	vmul.f32 v8, v3;
	v19 =	vpop (erf)  }
0x188: {  	s16 =	sadd.s32 $0xA0, s16;
	s17 =	sadd.s32 $0xA0, s17;
	v20 =	vmul.f32 v19, v3;
	v19 =	vxor.u32 v18, v25;
	v18 =	vxor.u32 v22, v26  }
0x189: {  	vm0 =	vlt.s32 v14, v1  }
0x18a: {  	vm1 =	vlt.s32 v15, v1;
	v3 =	vsel vm0, $0x0, v20  }
0x18b: {  	vm11 =	vlt.s32 v17, v1;
	v11 =	vsel vm1, $0x0, v11;
	[tilespmem:s14+$0xFFFFFFB0] =	vst v3  }
0x18c: {  	v2 =	vxor.u32 v2, v12;
	vm13 =	vlt.s32 v18, v1;
	v63 =	vsel vm11, $0x0, v10;
	[tilespmem:s14+$0xFFFFFFC0] =	vst v11  }
0x18d: {  	vm10 =	vlt.s32 v16, v1;
	vm14 =	vlt.s32 v2, v1;
	v2 =	vsel vm13, $0x0, v6;
	[tilespmem:s14+$0xFFFFFFE0] =	vst v63  }
0x18e: {  	v4 =	vxor.u32 v4, v13;
	v3 =	vsel vm10, $0x0, v5;
	[tilespmem:s14+$0x0] =	vst v2  }
0x18f: {  	vm12 =	vlt.s32 v19, v1;
	vm15 =	vlt.s32 v4, v1;
	v1 =	vsel vm14, $0x0, v7;
	[tilespmem:s14+$0xFFFFFFD0] =	vst v3  }
0x190: {  	v2 =	vsel vm15, $0x0, v8;
	[tilespmem:s14+$0x10] =	vst v1  }
0x191: {  	v3 =	vsel vm12, $0x0, v9;
	[tilespmem:s14+$0x20] =	vst v2  }
0x192: {  	[tilespmem:s14+$0xFFFFFFF0] =	vst v3  }
0x193: {  	[hbm4b:s4+s8] =	stream.strided.scatter [tilespmem:s2], [sflag:$0x1], $0x18700, s9, s8, $0x38;
	[tilespmem:$0x1A700] =	vst v63  }
0x194: {  	_ =	swait.ge [sflag:s10], $0x18700  }
0x195: {  	[sflag:s10] =	ssyncset.done $0x0  }
0x196: {  	[sflag:s10] =	ssyncadd.s32 $0xFFFE7900  }
0x197: {  	[tilespmem:s2], [sflag:$0x1] =	stream.strided.gather [hbm4b:s5+s8], $0x18700, s9, s8, $0x38;
	[tilespmem:$0x1A700] =	vst v63  }
0x198: {  	_ =	swait.ge [sflag:s10], $0x18700  }
0x199: {  	[sflag:s10] =	ssyncset.done $0x0  }
0x19a: {  	s15 =	simm.s32 $0x18780;
	[sflag:s10] =	ssyncadd.s32 $0xFFFE7900  }
0x19b: {  	[tilespmem:s15+$0xFFFFFF90] =	vst v0  }
0x19c: {  	[tilespmem:s15+$0xFFFFFFA0] =	vst v0  }
0x19d: {  	[tilespmem:s15+$0xFFFFFFB0] =	vst v0  }
0x19e: {  	[tilespmem:s15+$0xFFFFFFC0] =	vst v0  }
0x19f: {  	[tilespmem:s15+$0xFFFFFFD0] =	vst v0  }
0x1a0: {  	[tilespmem:s15+$0xFFFFFFE0] =	vst v0  }
0x1a1: {  	[tilespmem:s15+$0xFFFFFFF0] =	vst v0  }
0x1a2: {  	[tilespmem:s15+$0x0] =	vst v0  }
0x1a3: {  	[tilespmem:s15+$0x10] =	vst v0  }
0x1a4: {  	[tilespmem:s15+$0x20] =	vst v0  }
0x1a5: {  	[tilespmem:s15+$0x30] =	vst v0  }
0x1a6: {  	[tilespmem:s15+$0x40] =	vst v0  }
0x1a7: {  	[tilespmem:s15+$0x50] =	vst v0  }
0x1a8: {  	[tilespmem:s15+$0x60] =	vst v0  }
0x1a9: {  	[tilespmem:s15+$0x70] =	vst v0  }
0x1aa: {  	s14 =	simm.s32 $0x19780;
	[tilespmem:s15+$0xFFFFFF80] =	vst v0  }
0x1ab: {  	[tilespmem:s14+$0xFFFFFF90] =	vst v0  }
0x1ac: {  	[tilespmem:s14+$0xFFFFFFA0] =	vst v0  }
0x1ad: {  	[tilespmem:s14+$0xFFFFFFB0] =	vst v0  }
0x1ae: {  	[tilespmem:s14+$0xFFFFFFC0] =	vst v0  }
0x1af: {  	[tilespmem:s14+$0xFFFFFFD0] =	vst v0  }
0x1b0: {  	[tilespmem:s14+$0xFFFFFFE0] =	vst v0  }
0x1b1: {  	[tilespmem:s14+$0xFFFFFFF0] =	vst v0  }
0x1b2: {  	[tilespmem:s14+$0x0] =	vst v0  }
0x1b3: {  	[tilespmem:s14+$0x10] =	vst v0  }
0x1b4: {  	[tilespmem:s14+$0x20] =	vst v0  }
0x1b5: {  	[tilespmem:s14+$0x30] =	vst v0  }
0x1b6: {  	[tilespmem:s14+$0x40] =	vst v0  }
0x1b7: {  	[tilespmem:s14+$0x50] =	vst v0  }
0x1b8: {  	[tilespmem:s14+$0x60] =	vst v0  }
0x1b9: {  	[tilespmem:s14+$0x70] =	vst v0  }
0x1ba: {  	s16 =	simm.s32 $0x18880;
	s15 =	simm.s32 $0x0;
	[tilespmem:s14+$0xFFFFFF80] =	vst v0  }
.LBB2_16:
0x1bb: {  	[tilespmem:s16+$0xFFFFFF90] =	vst v0;
	s14 =	sadd.s32 $0x100, s14  }
0x1bc: {  	[tilespmem:s14+$0xFFFFFF90] =	vst v0  }
0x1bd: {  	[tilespmem:s16+$0xFFFFFFA0] =	vst v0  }
0x1be: {  	[tilespmem:s14+$0xFFFFFFA0] =	vst v0  }
0x1bf: {  	[tilespmem:s16+$0xFFFFFFB0] =	vst v0  }
0x1c0: {  	[tilespmem:s14+$0xFFFFFFB0] =	vst v0  }
0x1c1: {  	[tilespmem:s16+$0xFFFFFFC0] =	vst v0  }
0x1c2: {  	[tilespmem:s14+$0xFFFFFFC0] =	vst v0  }
0x1c3: {  	[tilespmem:s16+$0xFFFFFFD0] =	vst v0  }
0x1c4: {  	[tilespmem:s14+$0xFFFFFFD0] =	vst v0  }
0x1c5: {  	[tilespmem:s16+$0xFFFFFFE0] =	vst v0  }
0x1c6: {  	[tilespmem:s14+$0xFFFFFFE0] =	vst v0  }
0x1c7: {  	[tilespmem:s16+$0xFFFFFFF0] =	vst v0  }
0x1c8: {  	[tilespmem:s14+$0xFFFFFFF0] =	vst v0  }
0x1c9: {  	[tilespmem:s16+$0x0] =	vst v0  }
0x1ca: {  	[tilespmem:s14+$0x0] =	vst v0  }
0x1cb: {  	[tilespmem:s16+$0x10] =	vst v0  }
0x1cc: {  	[tilespmem:s14+$0x10] =	vst v0  }
0x1cd: {  	[tilespmem:s16+$0x20] =	vst v0  }
0x1ce: {  	[tilespmem:s14+$0x20] =	vst v0  }
0x1cf: {  	[tilespmem:s16+$0x30] =	vst v0  }
0x1d0: {  	[tilespmem:s14+$0x30] =	vst v0  }
0x1d1: {  	[tilespmem:s16+$0x40] =	vst v0  }
0x1d2: {  	[tilespmem:s14+$0x40] =	vst v0  }
0x1d3: {  	[tilespmem:s16+$0x50] =	vst v0  }
0x1d4: {  	s15 =	sadd.s32 $0x10, s15;
	[tilespmem:s14+$0x50] =	vst v0  }
0x1d5: {  	p0 =	slt.u32 s15, $0xF0;
	[tilespmem:s16+$0x60] =	vst v0  }
.Ltmp7:
0x1d6: {  	[tilespmem:s14+$0x60] =	vst v0;
	(pc) =	sbr.rel @p0 .LBB2_16-.Ltmp7, $4  }
0x1d7: {  	[tilespmem:s16+$0x70] =	vst v0  }
0x1d8: {  	[tilespmem:s14+$0x70] =	vst v0  }
0x1d9: {  	s18 =	simm.s32 $0x0;
	s17 =	simm.s32 $0x50;
	[tilespmem:s16+$0xFFFFFF80] =	vst v0  }
0x1da: {  	s16 =	sadd.s32 $0x100, s16;
	[tilespmem:s14+$0xFFFFFF80] =	vst v0  }
0x1db: {  	v2 =	vld [tilespmem:s17+$0x40]  }
0x1dc: {  	v4 =	vld [tilespmem:s17+$0xFFFFFFC0]  }
0x1dd: {  	v6 =	vld [tilespmem:s17+$0xFFFFFFD0]  }
0x1de: {  	s14 =	sand.u32 $0x1FFE0, s18;
	v7 =	vld [tilespmem:s17+$0xFFFFFFE0]  }
0x1df: {  	v3 =	vld [tilespmem:s14+$0x80]  }
0x1e0: {  	v11 =	vld [tilespmem:s17+$0xFFFFFFF0]  }
0x1e1: {  	v14 =	vld [tilespmem:s17+$0x10]  }
0x1e2: {  	v13 =	vld [tilespmem:s17+$0x0];
	v1 =	vmul.f32 $1.442695020e+00, v2  }
0x1e3: {  	v8 =	vmul.f32 $1.442695020e+00, v4;
	v10 =	vmul.f32 $1.442695020e+00, v6  }
0x1e4: {  	v15 =	vmul.f32 $1.442695020e+00, v7;
	v5 =	vmul.f32 $1.442695020e+00, v3  }
0x1e5: {  	v9 =	vshra.s32 v4, $0x1F;
	v17 =	vmul.f32 $1.442695020e+00, v11;
	(erf) = vpow2.f32 v1  }
0x1e6: {  	v12 =	vshra.s32 v2, $0x1F;
	v60 =	vmul.f32 $1.442695020e+00, v14;
	(erf) = vpow2.f32 v5;
	v5 =	vld [tilespmem:s17+$0xFFFFFFB0]  }
0x1e7: {  	v20 =	vshra.s32 v7, $0x1F;
	v21 =	vshra.s32 v13, $0x1F;
	v16 =	vshra.s32 v3, $0x1F  }
0x1e8: {  	v12 =	vand.u32 $0x7FF00000, v12;
	v9 =	vand.u32 $0x7FF00000, v9;
	v20 =	vand.u32 $0x7FF00000, v20  }
0x1e9: {  	v63 =	vand.u32 $0x7FF00000, v21;
	v16 =	vand.u32 $0x7FF00000, v16;
	v2 =	vxor.u32 v2, v12  }
0x1ea: {  	v1 =	vld [tilespmem:s17+$0x20];
	v12 =	vmul.f32 $1.442695020e+00, v13;
	v3 =	vxor.u32 v3, v16;
	(erf) = vpow2.f32 v8  }
0x1eb: {  	v2 =	vshrl.u32 v2, $0x14;
	(erf) = vpow2.f32 v10;
	v8 =	vmul.f32 $1.442695020e+00, v5  }
0x1ec: {  	v3 =	vshrl.u32 v3, $0x14;
	v2 =	vxor.u32 $0x800, v2;
	(erf) = vpow2.f32 v15  }
0x1ed: {  	v3 =	vxor.u32 $0x800, v3;
	v10 =	vshra.s32 v6, $0x1F;
	(erf) = vpow2.f32 v8  }
0x1ee: {  	v15 =	vshra.s32 v11, $0x1F;
	v62 =	vand.u32 $0x7FF00000, v10;
	(erf) = vpow2.f32 v17  }
0x1ef: {  	v18 =	vmul.f32 $1.442695020e+00, v1;
	v22 =	vshra.s32 v1, $0x1F;
	(erf) = vpow2.f32 v12  }
0x1f0: {  	v15 =	vand.u32 $0x7FF00000, v15;
	v19 =	vshra.s32 v5, $0x1F;
	v12 =	vpop (erf);
	(erf) = vpow2.f32 v60  }
0x1f1: {  	v11 =	vxor.u32 v11, v15;
	v61 =	vand.u32 $0x7FF00000, v19;
	[tilespmem:v2+s11+$0x0] =	vst.idx.add.f32.msk $0xffff, v12;
	v2 =	vpop (erf);
	(erf) = vpow2.f32 v18  }
0x1f2: {  	v8 =	vshra.s32 v14, $0x1F;
	v10 =	vxor.u32 v5, v61;
	v5 =	vand.u32 $0x7FF00000, v22  }
0x1f3: {  	v12 =	vxor.u32 v4, v9;
	v9 =	vxor.u32 v6, v62;
	[tilespmem:v3+s11+$0x0] =	vst.idx.add.f32.msk $0xffff, v2;
	v2 =	vand.u32 $0x7FF00000, v8;
	v3 =	vpop (erf)  }
0x1f4: {  	s15 =	simm.s32 $0x0;
	s16 =	simm.s32 $0xA0;
	s17 =	simm.s32 $0xF0;
	v8 =	vxor.u32 v7, v20;
	v7 =	vxor.u32 v13, v63;
	v6 =	vxor.u32 v14, v2;
	v4 =	vpop (erf)  }
.LBB2_18:
0x1f5: {  	s14 =	sand.u32 $0x1FFE0, s16;
	v13 =	vld [tilespmem:s17+$0x40];
	s15 =	sadd.s32 $0xA, s15;
	v2 =	vshrl.u32 v10, $0x14;
	v10 =	vshrl.u32 v12, $0x14;
	v1 =	vxor.u32 v1, v5;
	v5 =	vpop (erf)  }
0x1f6: {  	v9 =	vshrl.u32 v9, $0x14;
	v8 =	vshrl.u32 v8, $0x14;
	v11 =	vshrl.u32 v11, $0x14;
	v12 =	vld [tilespmem:s14+$0x80];
	p0 =	slt.u32 s15, $0x1860;
	v14 =	vpop (erf)  }
0x1f7: {  	v7 =	vshrl.u32 v7, $0x14;
	v6 =	vshrl.u32 v6, $0x14;
	v1 =	vshrl.u32 v1, $0x14;
	v15 =	vld [tilespmem:s17+$0xFFFFFFC0];
	v16 =	vpop (erf)  }
0x1f8: {  	v18 =	vxor.u32 $0x800, v2;
	v10 =	vxor.u32 $0x800, v10;
	v9 =	vxor.u32 $0x800, v9;
	v17 =	vld [tilespmem:s17+$0xFFFFFFD0];
	v19 =	vpop (erf)  }
0x1f9: {  	v8 =	vxor.u32 $0x800, v8;
	v11 =	vxor.u32 $0x800, v11;
	v7 =	vxor.u32 $0x800, v7;
	v20 =	vld [tilespmem:s17+$0xFFFFFFE0];
	v21 =	vpop (erf)  }
0x1fa: {  	v6 =	vxor.u32 $0x800, v6;
	v24 =	vxor.u32 $0x800, v1;
	v22 =	vld [tilespmem:s17+$0xFFFFFFF0];
	v23 =	vmul.f32 $1.442695020e+00, v13;
	v25 =	vpop (erf)  }
0x1fb: {  	v2 =	vimm.f32 $0.0e+00;
	v26 =	vld [tilespmem:s17+$0x0];
	v27 =	vmul.f32 $1.442695020e+00, v12  }
0x1fc: {  	v28 =	vmul.f32 $1.442695020e+00, v15;
	v29 =	vshra.s32 v15, $0x1F;
	v30 =	vld [tilespmem:s17+$0x10];
	(erf) = vpow2.f32 v23  }
0x1fd: {  	v31 =	vshra.s32 v13, $0x1F;
	v23 =	vmul.f32 $1.442695020e+00, v17;
	v1 =	vld [tilespmem:s17+$0x20];
	(erf) = vpow2.f32 v27  }
0x1fe: {  	v33 =	vshra.s32 v12, $0x1F;
	v31 =	vand.u32 $0x7FF00000, v31;
	v27 =	vld [tilespmem:s17+$0xFFFFFFB0];
	v32 =	vmul.f32 $1.442695020e+00, v20  }
0x1ff: {  	v33 =	vand.u32 $0x7FF00000, v33;
	v13 =	vxor.u32 v13, v31;
	v34 =	vmul.f32 $1.442695020e+00, v22;
	[tilespmem:v18+s11+$0x0] =	vst.idx.add.f32.msk $0xffff, v14  }
0x200: {  	v12 =	vxor.u32 v12, v33;
	v13 =	vshrl.u32 v13, $0x14;
	v14 =	vmul.f32 $1.442695020e+00, v26;
	[tilespmem:v10+s11+$0x0] =	vst.idx.add.f32.msk $0xffff, v3  }
0x201: {  	v10 =	vshrl.u32 v12, $0x14;
	v12 =	vxor.u32 $0x800, v13;
	v3 =	vmul.f32 $1.442695020e+00, v30;
	[tilespmem:v9+s11+$0x0] =	vst.idx.add.f32.msk $0xffff, v4  }
0x202: {  	v9 =	vxor.u32 $0x800, v10;
	v4 =	vmul.f32 $1.442695020e+00, v1;
	(erf) = vpow2.f32 v28;
	[tilespmem:v8+s11+$0x0] =	vst.idx.add.f32.msk $0xffff, v5  }
0x203: {  	v18 =	vmul.f32 $1.442695020e+00, v27;
	v8 =	vshra.s32 v27, $0x1F;
	(erf) = vpow2.f32 v23;
	[tilespmem:v11+s11+$0x0] =	vst.idx.add.f32.msk $0xffff, v16  }
0x204: {  	v10 =	vshra.s32 v17, $0x1F;
	v11 =	vshra.s32 v20, $0x1F;
	(erf) = vpow2.f32 v32;
	[tilespmem:v7+s11+$0x0] =	vst.idx.add.f32.msk $0xffff, v19  }
0x205: {  	v13 =	vshra.s32 v26, $0x1F;
	v7 =	vshra.s32 v22, $0x1F;
	(erf) = vpow2.f32 v18;
	v5 =	vpop (erf);
	[tilespmem:v6+s11+$0x0] =	vst.idx.add.f32.msk $0xffff, v21  }
0x206: {  	v16 =	vshra.s32 v1, $0x1F;
	v6 =	vshra.s32 v30, $0x1F;
	[tilespmem:v12+s11+$0x0] =	vst.idx.add.f32.msk $0xffff, v5;
	(erf) = vpow2.f32 v34;
	v5 =	vpop (erf)  }
0x207: {  	s18 =	simm.s32 $0x18760;
	s14 =	simm.s32 $0xC0;
	v8 =	vand.u32 $0x7FF00000, v8;
	v12 =	vand.u32 $0x7FF00000, v29;
	[tilespmem:v9+s11+$0x0] =	vst.idx.add.f32.msk $0xffff, v5;
	(erf) = vpow2.f32 v14  }
.Ltmp8:
0x208: {  	v11 =	vand.u32 $0x7FF00000, v11;
	v9 =	vand.u32 $0x7FF00000, v10;
	(erf) = vpow2.f32 v3;
	[tilespmem:v24+s11+$0x0] =	vst.idx.add.f32.msk $0xffff, v25;
	(pc) =	sbr.rel @p0 .LBB2_18-.Ltmp8, $4  }
0x209: {  	v13 =	vand.u32 $0x7FF00000, v13;
	v7 =	vand.u32 $0x7FF00000, v7;
	(erf) = vpow2.f32 v4  }
0x20a: {  	v10 =	vxor.u32 v27, v8;
	v14 =	vand.u32 $0x7FF00000, v6;
	v5 =	vand.u32 $0x7FF00000, v16  }
0x20b: {  	v12 =	vxor.u32 v15, v12;
	v8 =	vxor.u32 v20, v11;
	v9 =	vxor.u32 v17, v9;
	v3 =	vpop (erf)  }
0x20c: {  	s16 =	sadd.s32 $0xA0, s16;
	s17 =	sadd.s32 $0xA0, s17;
	v11 =	vxor.u32 v22, v7;
	v7 =	vxor.u32 v26, v13;
	v6 =	vxor.u32 v30, v14;
	v4 =	vpop (erf)  }
0x20d: {  	v10 =	vshrl.u32 v10, $0x14  }
0x20e: {  	v12 =	vshrl.u32 v12, $0x14;
	v10 =	vxor.u32 $0x800, v10  }
0x20f: {  	v9 =	vshrl.u32 v9, $0x14;
	v12 =	vxor.u32 $0x800, v12  }
0x210: {  	v8 =	vshrl.u32 v8, $0x14;
	v9 =	vxor.u32 $0x800, v9  }
0x211: {  	v13 =	vpop (erf);
	v11 =	vshrl.u32 v11, $0x14;
	v8 =	vxor.u32 $0x800, v8  }
0x212: {  	v7 =	vshrl.u32 v7, $0x14;
	v14 =	vpop (erf);
	v11 =	vxor.u32 $0x800, v11  }
0x213: {  	v1 =	vxor.u32 v1, v5;
	v5 =	vshrl.u32 v6, $0x14;
	v6 =	vxor.u32 $0x800, v7;
	[tilespmem:v10+s11+$0x0] =	vst.idx.add.f32.msk $0xffff, v14  }
0x214: {  	v1 =	vshrl.u32 v1, $0x14;
	v5 =	vxor.u32 $0x800, v5;
	[tilespmem:v12+s11+$0x0] =	vst.idx.add.f32.msk $0xffff, v3  }
0x215: {  	v1 =	vxor.u32 $0x800, v1;
	[tilespmem:v9+s11+$0x0] =	vst.idx.add.f32.msk $0xffff, v4  }
0x216: {  	v3 =	vpop (erf);
	[tilespmem:v8+s11+$0x0] =	vst.idx.add.f32.msk $0xffff, v13  }
0x217: {  	v4 =	vpop (erf);
	[tilespmem:v11+s11+$0x0] =	vst.idx.add.f32.msk $0xffff, v3  }
0x218: {  	v3 =	vpop (erf);
	[tilespmem:v6+s11+$0x0] =	vst.idx.add.f32.msk $0xffff, v4  }
0x219: {  	v4 =	vpop (erf);
	[tilespmem:v5+s11+$0x0] =	vst.idx.add.f32.msk $0xffff, v3  }
0x21a: {  	[tilespmem:v1+s11+$0x0] =	vst.idx.add.f32.msk $0xffff, v4  }
0x21b: {  	v5 =	vld [tilespmem:s18+$0x60]  }
0x21c: {  	v3 =	vld [tilespmem:s18+$0x20]  }
0x21d: {  	v4 =	vld [tilespmem:s18+$0x30]  }
0x21e: {  	v1 =	vld [tilespmem:s18+$0x40]  }
0x21f: {  	v10 =	vld [tilespmem:s18+$0xFFFFFFE0]  }
0x220: {  	v13 =	vld [tilespmem:s18+$0xFFFFFFF0]  }
0x221: {  	v7 =	vld [tilespmem:s18+$0xFFFFFFA0]  }
0x222: {  	v11 =	vld [tilespmem:s18+$0xFFFFFFB0]  }
0x223: {  	v12 =	vld [tilespmem:s18+$0xFFFFFFC0]  }
0x224: {  	v14 =	vld [tilespmem:s18+$0xFFFFFFD0]  }
0x225: {  	v8 =	vld [tilespmem:s18+$0x0]  }
0x226: {  	v9 =	vld [tilespmem:s18+$0x10]  }
0x227: {  	s15 =	sor.u32 $0x50, s14;
	v6 =	vld [tilespmem:s18+$0x50]  }
0x228: {  	s31 =	sor.u32 $0x60, s14;
	v15 =	vadd.f32 v7, v2;
	v16 =	vadd.f32 v11, v2;
	v7 =	vld [tilespmem:s15+$0x18700]  }
0x229: {  	s16 =	sor.u32 $0x70, s14;
	v12 =	vadd.f32 v12, v2;
	v11 =	vadd.f32 v14, v2;
	v2 =	vld [tilespmem:s31+$0x18700]  }
0x22a: {  	s15 =	simm.s32 $0x0;
	v14 =	vadd.f32 v10, v15;
	v13 =	vadd.f32 v13, v16;
	v10 =	vld [tilespmem:s16+$0x18700];
	s16 =	simm.s32 $0x18860  }
.LBB2_20:
0x22b: {  	v15 =	vld [tilespmem:s16+$0x60];
	v8 =	vadd.f32 v8, v12;
	v9 =	vadd.f32 v9, v11  }
0x22c: {  	v11 =	vadd.f32 v3, v14;
	v3 =	vld [tilespmem:s16+$0x20];
	v12 =	vadd.f32 v4, v13  }
0x22d: {  	v4 =	vld [tilespmem:s16+$0x30];
	v8 =	vadd.f32 v1, v8;
	v6 =	vadd.f32 v6, v9  }
0x22e: {  	v1 =	vld [tilespmem:s16+$0x40];
	v11 =	vadd.f32 v5, v11;
	v7 =	vadd.f32 v7, v12  }
0x22f: {  	v13 =	vld [tilespmem:s16+$0xFFFFFFE0];
	v2 =	vadd.f32 v2, v8;
	v10 =	vadd.f32 v10, v6  }
0x230: {  	v16 =	vld [tilespmem:s16+$0xFFFFFFF0];
	v5 =	vmov v15  }
0x231: {  	v12 =	vld [tilespmem:s16+$0xFFFFFFA0]  }
0x232: {  	v14 =	vld [tilespmem:s16+$0xFFFFFFB0]  }
0x233: {  	v15 =	vld [tilespmem:s16+$0xFFFFFFC0]  }
0x234: {  	s15 =	sadd.s32 $0x4, s15;
	v17 =	vld [tilespmem:s16+$0xFFFFFFD0]  }
0x235: {  	p0 =	slt.u32 s15, $0x3C;
	v8 =	vld [tilespmem:s16+$0x0]  }
.Ltmp9:
0x236: {  	s14 =	sadd.s32 $0x100, s14;
	v9 =	vld [tilespmem:s16+$0x10];
	(pc) =	sbr.rel @p0 .LBB2_20-.Ltmp9, $4  }
0x237: {  	s17 =	sor.u32 $0x50, s14;
	v6 =	vld [tilespmem:s16+$0x50]  }
0x238: {  	v18 =	vadd.f32 v12, v11;
	v19 =	vadd.f32 v14, v7;
	v7 =	vld [tilespmem:s17+$0x18700];
	s17 =	sor.u32 $0x60, s14  }
0x239: {  	v12 =	vadd.f32 v15, v2;
	v11 =	vadd.f32 v17, v10;
	v2 =	vld [tilespmem:s17+$0x18700];
	s17 =	sor.u32 $0x70, s14  }
0x23a: {  	s16 =	sadd.s32 $0x100, s16;
	v14 =	vadd.f32 v13, v18;
	v13 =	vadd.f32 v16, v19;
	v10 =	vld [tilespmem:s17+$0x18700]  }
0x23b: {  	_ = 	snop  }
0x23c: {  	v3 =	vadd.f32 v3, v14  }
0x23d: {  	v8 =	vadd.f32 v8, v12  }
0x23e: {  	v4 =	vadd.f32 v4, v13;
	v3 =	vadd.f32 v5, v3  }
0x23f: {  	v1 =	vadd.f32 v1, v8;
	v5 =	vadd.f32 v9, v11  }
0x240: {  	v4 =	vadd.f32 v7, v4;
	v3 =	vadd.f32 $0.0e+00, v3  }
0x241: {  	v1 =	vadd.f32 v2, v1  }
0x242: {  	v5 =	vadd.f32 v6, v5;
	v2 =	vadd.f32 v4, v3;
	_ =	sdelay $0x1  }
0x243: {  	v3 =	vadd.f32 v10, v5;
	v1 =	vadd.f32 v1, v2;
	_ =	sdelay $0x1  }
0x244: {  	v1 =	vadd.f32 v3, v1;
	_ =	sdelay $0x1  }
0x245: {  	(xrf2) =	vadd.scan.msk.f32 $0xffff, v1;
	_ =	sdelay $0x9  }
0x246: {  	v1, _, _ =	vpop (xrf2)  }
0x247: {  	v1 =	vbroadcast v1, $0xF;
	_ =	sdelay $0x1  }
0x248: {  	v2 =	vmul.f32 $-8.999999760e-01, v1;
	_ =	sdelay $0x1  }
0x249: {  	s14 =	simm.s32 $0x0;
	v4 =	vimm.f32 $0.0e+00;
	v2 =	vadd.f32 v2, v1  }
.LBB2_22:
0x24a: {  	s15 =	sshll.u32 s14, $0x4  }
0x24b: {  	s15 =	sand.u32 $0x3FFFFFF0, s15  }
0x24c: {  	v3 =	vld [tilespmem:s15+$0x18700];
	_ =	sdelay $0x4  }
0x24d: {  	(xrf2) =	vadd.scan.msk.f32 $0xffff, v3;
	_ =	sdelay $0x9  }
0x24e: {  	v3, _, _ =	vpop (xrf2)  }
0x24f: {  	v3 =	vbroadcast v3, $0xF;
	_ =	sdelay $0x1  }
0x250: {  	v3 =	vadd.f32 v3, v4;
	_ =	sdelay $0x1  }
0x251: {  	vm0 =	vge.f32 v3, v2  }
0x252: {  	v5 =	vsel vm0, $0x3F800000, v0  }
0x253: {  	(xrf0) =	vmax.scan.msk.f32 $0xffff, v5;
	_ =	sdelay $0x5  }
0x254: {  	v5, _, _ =	vpop (xrf0)  }
0x255: {  	(v2sf) =	vpush v5, $0xF;
	_ =	sdelay $0xe  }
0x256: {  	s15 =	spop (v2sf)  }
0x257: {  	p0 =	sgt.f32 s15, $0.0e+00;
	_ =	sdelay $0x1  }
0x258: {  	s16 =	simm.s32 $0x1;
	p1 =	por !p0, !p0  }
0x259: {  	s16 =	simm.s32 @!p1 $0x0  }
0x25a: {  	s14 =	sadd.s32 s16, s14  }
0x25b: {  	p1 =	sgt.u32 s14, $0xFE  }
0x25c: {  	p2 =	sgt.f32 @!p1 s15, $0.0e+00;
	_ =	sdelay $0x1  }
0x25d: {  	p1 =	por p1, p2  }
.Ltmp10:
0x25e: {  	_ = 	snop;
	(pc) =	sbr.rel @!p1 .LBB2_22-.Ltmp10, $2  }
0x25f: {  	_ =	sdelay $0x2  }
0x260: {  	v4 =	vpsel p0, v4, v3  }
0x261: {  	s14 =	sshll.u32 s14, $0x4  }
0x262: {  	s16 =	simm.s32 $0x50;
	v5 =	vld [tilespmem:s14+$0x18700]  }
0x263: {  	v6 =	vld [tilespmem:s16+$0x40]  }
0x264: {  	v8 =	vld [tilespmem:s16+$0xFFFFFFC0]  }
0x265: {  	s15 =	simm.s32 $0x0;
	v9 =	vld [tilespmem:s16+$0xFFFFFFD0]  }
0x266: {  	s15 =	sand.u32 $0x1FFE0, s15;
	v15 =	vld [tilespmem:s16+$0x0]  }
0x267: {  	v7 =	vld [tilespmem:s15+$0x80];
	(xrf2) =	vadd.scan.msk.f32 $0xffff, v5  }
0x268: {  	v17 =	vld [tilespmem:s16+$0x20]  }
0x269: {  	v10 =	vld [tilespmem:s16+$0xFFFFFFE0];
	_ =	sdelay $0x1  }
0x26a: {  	v11 =	vmul.f32 $1.442695020e+00, v6;
	v18 =	vmul.f32 $1.442695020e+00, v9  }
0x26b: {  	v14 =	vshra.s32 v6, $0x1F;
	v20 =	vmul.f32 $1.442695020e+00, v15;
	v13 =	vmul.f32 $1.442695020e+00, v7  }
0x26c: {  	v21 =	vshra.s32 v8, $0x1F;
	v24 =	vmul.f32 $1.442695020e+00, v17;
	(erf) = vpow2.f32 v11  }
0x26d: {  	v26 =	vshra.s32 v9, $0x1F;
	v27 =	vshra.s32 v10, $0x1F;
	(erf) = vpow2.f32 v13;
	v13 =	vld [tilespmem:s16+$0xFFFFFFB0]  }
0x26e: {  	v28 =	vshra.s32 v15, $0x1F;
	v16 =	vshra.s32 v7, $0x1F;
	v14 =	vand.u32 $0x7FFFFFFF, v14  }
0x26f: {  	v29 =	vshra.s32 v17, $0x1F;
	v11 =	vld [tilespmem:s16+$0x10];
	v16 =	vand.u32 $0x7FFFFFFF, v16;
	v6 =	vxor.u32 v6, v14  }
0x270: {  	v12 =	vld [tilespmem:s16+$0xFFFFFFF0];
	v14 =	vmul.f32 $1.442695020e+00, v8;
	v7 =	vxor.u32 v7, v16;
	v16 =	vshrl.u32 v6, $0x14;
	v3, _, _ =	vpop (xrf2)  }
0x271: {  	v19 =	vshrl.u32 v7, $0x14;
	v7 =	vshrl.u32 v7, $0x8;
	v3 =	vadd.f32 v3, v4  }
0x272: {  	v6 =	vshrl.u32 v6, $0x8;
	v25 =	vand.u32 $0xFFF, v7;
	v7 =	vmul.f32 $1.442695020e+00, v13  }
0x273: {  	v22 =	vand.u32 $0xFFF, v6;
	v6 =	vmul.f32 $1.442695020e+00, v10;
	vm0 =	vge.f32 v3, v2  }
0x274: {  	v23 =	vmul.f32 $1.442695020e+00, v11;
	(erf) = vpow2.f32 v7;
	vm0 =	vmneg vm0  }
0x275: {  	v7 =	vshra.s32 v12, $0x1F;
	(erf) = vpow2.f32 v14;
	v3 =	vmpcnt.ones.xlane vm0  }
0x276: {  	v14 =	vshra.s32 v11, $0x1F;
	v7 =	vand.u32 $0x7FFFFFFF, v7;
	(erf) = vpow2.f32 v18  }
0x277: {  	v14 =	vand.u32 $0x7FFFFFFF, v14;
	(erf) = vpow2.f32 v6;
	v3 =	vadd.s32 s14, v3  }
0x278: {  	v6 =	vand.u32 $0x7FFFFFFF, v26;
	v32 =	vxor.u32 v11, v14;
	v16 =	vxor.u32 v3, v16  }
0x279: {  	v19 =	vxor.u32 v3, v19;
	vm2 =	veq.s32 v16, $0x800;
	v16 =	vmul.f32 $1.442695020e+00, v12  }
0x27a: {  	v26 =	vxor.u32 v9, v6;
	vm1 =	veq.s32 v19, $0x800;
	v19 =	vshra.s32 v13, $0x1F  }
0x27b: {  	v18 =	vand.u32 $0x7FFFFFFF, v19;
	v19 =	vand.u32 $0x7FFFFFFF, v21;
	(erf) = vpow2.f32 v16  }
0x27c: {  	v21 =	vand.u32 $0x7FFFFFFF, v27;
	v27 =	vshrl.u32 v32, $0x14;
	(erf) = vpow2.f32 v20  }
0x27d: {  	v16 =	vand.u32 $0x7FFFFFFF, v28;
	v13 =	vxor.u32 v13, v18;
	(erf) = vpow2.f32 v23  }
0x27e: {  	v19 =	vxor.u32 v8, v19;
	v10 =	vxor.u32 v10, v21;
	(erf) = vpow2.f32 v24;
	v24 =	vpop (erf)  }
0x27f: {  	v20 =	vand.u32 $0x7FFFFFFF, v29;
	v29 =	vxor.u32 v12, v7;
	v31 =	vxor.u32 v15, v16;
	v30 =	vpop (erf)  }
0x280: {  	v9 =	vshrl.u32 v13, $0x14;
	v11 =	vshrl.u32 v19, $0x14;
	v12 =	vshrl.u32 v26, $0x14;
	v6 =	vpop (erf)  }
0x281: {  	v14 =	vshrl.u32 v10, $0x14;
	v33 =	vxor.u32 v17, v20;
	v17 =	vshrl.u32 v29, $0x14;
	v7 =	vpop (erf)  }
0x282: {  	v23 =	vshrl.u32 v31, $0x14;
	v15 =	vxor.u32 v3, v9;
	v21 =	vxor.u32 v3, v11;
	v8 =	vpop (erf)  }
0x283: {  	v20 =	vxor.u32 v3, v12;
	v16 =	vxor.u32 v3, v14;
	v14 =	vxor.u32 v3, v27;
	v9 =	vpop (erf)  }
0x284: {  	v27 =	vshrl.u32 v13, $0x8;
	v28 =	vshrl.u32 v33, $0x14;
	v18 =	vxor.u32 v3, v17;
	v11 =	vpop (erf)  }
0x285: {  	v17 =	vxor.u32 v3, v23;
	v23 =	vshrl.u32 v19, $0x8;
	v19 =	vxor.u32 v3, v28;
	v12 =	vpop (erf)  }
0x286: {  	[tilespmem:v22+s12+$0x0] =	vst.idx.add.f32.msk vm2, v24;
	v28 =	vshrl.u32 v26, $0x8;
	v26 =	vshrl.u32 v10, $0x8;
	v24 =	vshrl.u32 v29, $0x8;
	v13 =	vpop (erf)  }
0x287: {  	s15 =	simm.s32 $0xA0;
	s16 =	simm.s32 $0xF0;
	s14 =	simm.s32 $0x0;
	v29 =	vshrl.u32 v31, $0x8;
	v22 =	vshrl.u32 v33, $0x8;
	[tilespmem:v25+s12+$0x0] =	vst.idx.add.f32.msk vm1, v30;
	v25 =	vshrl.u32 v32, $0x8;
	v10 =	vpop (erf)  }
.LBB2_24:
0x288: {  	s17 =	sand.u32 $0x1FFE0, s15;
	v30 =	vld [tilespmem:s16+$0x40];
	s14 =	sadd.s32 $0xA, s14;
	vm8 =	veq.s32 v15, $0x800;
	vm7 =	veq.s32 v21, $0x800;
	vm6 =	veq.s32 v20, $0x800  }
0x289: {  	vm5 =	veq.s32 v16, $0x800;
	vm4 =	veq.s32 v18, $0x800;
	vm3 =	veq.s32 v17, $0x800;
	v15 =	vld [tilespmem:s17+$0x80];
	p0 =	slt.u32 s14, $0x1860  }
0x28a: {  	v17 =	vand.u32 $0xFFF, v27;
	vm2 =	veq.s32 v14, $0x800;
	vm1 =	veq.s32 v19, $0x800;
	v16 =	vld [tilespmem:s16+$0xFFFFFFC0]  }
0x28b: {  	v18 =	vand.u32 $0xFFF, v23;
	v19 =	vand.u32 $0xFFF, v28;
	v20 =	vand.u32 $0xFFF, v26;
	v14 =	vld [tilespmem:s16+$0xFFFFFFD0]  }
0x28c: {  	v23 =	vand.u32 $0xFFF, v24;
	v24 =	vand.u32 $0xFFF, v29;
	v25 =	vand.u32 $0xFFF, v25;
	v21 =	vld [tilespmem:s16+$0xFFFFFFE0]  }
0x28d: {  	v22 =	vand.u32 $0xFFF, v22;
	v26 =	vld [tilespmem:s16+$0xFFFFFFF0];
	v27 =	vmul.f32 $1.442695020e+00, v30  }
0x28e: {  	v31 =	vshra.s32 v30, $0x1F;
	v28 =	vld [tilespmem:s16+$0x0];
	v29 =	vmul.f32 $1.442695020e+00, v15  }
0x28f: {  	v33 =	vshra.s32 v15, $0x1F;
	v31 =	vand.u32 $0x7FFFFFFF, v31;
	v32 =	vld [tilespmem:s16+$0x10];
	(erf) = vpow2.f32 v27  }
0x290: {  	v33 =	vand.u32 $0x7FFFFFFF, v33;
	v30 =	vxor.u32 v30, v31;
	v27 =	vld [tilespmem:s16+$0x20];
	(erf) = vpow2.f32 v29  }
0x291: {  	v31 =	vmul.f32 $1.442695020e+00, v16;
	v15 =	vxor.u32 v15, v33;
	v33 =	vshrl.u32 v30, $0x14;
	v29 =	vld [tilespmem:s16+$0xFFFFFFB0]  }
0x292: {  	v34 =	vmul.f32 $1.442695020e+00, v14;
	v35 =	vshrl.u32 v15, $0x14;
	v33 =	vxor.u32 v3, v33;
	[tilespmem:v17+s12+$0x0] =	vst.idx.add.f32.msk vm8, v6  }
0x293: {  	v6 =	vxor.u32 v3, v35;
	v17 =	vshrl.u32 v30, $0x8;
	vm8 =	veq.s32 v33, $0x800;
	[tilespmem:v18+s12+$0x0] =	vst.idx.add.f32.msk vm7, v7  }
0x294: {  	v7 =	vshrl.u32 v15, $0x8;
	vm7 =	veq.s32 v6, $0x800;
	v6 =	vand.u32 $0xFFF, v17;
	[tilespmem:v19+s12+$0x0] =	vst.idx.add.f32.msk vm6, v8  }
0x295: {  	v15 =	vmul.f32 $1.442695020e+00, v26;
	v8 =	vmul.f32 $1.442695020e+00, v21;
	v7 =	vand.u32 $0xFFF, v7;
	[tilespmem:v20+s12+$0x0] =	vst.idx.add.f32.msk vm5, v9  }
0x296: {  	v18 =	vmul.f32 $1.442695020e+00, v28;
	v30 =	vmul.f32 $1.442695020e+00, v29;
	v17 =	vshra.s32 v29, $0x1F;
	[tilespmem:v23+s12+$0x0] =	vst.idx.add.f32.msk vm4, v11  }
0x297: {  	v19 =	vmul.f32 $1.442695020e+00, v32;
	v20 =	vmul.f32 $1.442695020e+00, v27;
	v11 =	vshra.s32 v16, $0x1F;
	[tilespmem:v24+s12+$0x0] =	vst.idx.add.f32.msk vm3, v12  }
0x298: {  	v23 =	vshra.s32 v21, $0x1F;
	v12 =	vshra.s32 v14, $0x1F;
	(erf) = vpow2.f32 v30;
	v9 =	vpop (erf);
	[tilespmem:v25+s12+$0x0] =	vst.idx.add.f32.msk vm2, v13  }
0x299: {  	v24 =	vshra.s32 v28, $0x1F;
	v13 =	vshra.s32 v26, $0x1F;
	[tilespmem:v6+s12+$0x0] =	vst.idx.add.f32.msk vm8, v9;
	(erf) = vpow2.f32 v31;
	v6 =	vpop (erf)  }
0x29a: {  	v25 =	vshra.s32 v27, $0x1F;
	v9 =	vshra.s32 v32, $0x1F;
	[tilespmem:v7+s12+$0x0] =	vst.idx.add.f32.msk vm7, v6;
	(erf) = vpow2.f32 v34  }
0x29b: {  	v6 =	vand.u32 $0x7FFFFFFF, v17;
	v7 =	vand.u32 $0x7FFFFFFF, v11;
	(erf) = vpow2.f32 v8;
	[tilespmem:v22+s12+$0x0] =	vst.idx.add.f32.msk vm1, v10  }
0x29c: {  	v8 =	vand.u32 $0x7FFFFFFF, v12;
	v10 =	vand.u32 $0x7FFFFFFF, v23;
	(erf) = vpow2.f32 v15  }
0x29d: {  	v11 =	vand.u32 $0x7FFFFFFF, v13;
	v12 =	vand.u32 $0x7FFFFFFF, v24;
	(erf) = vpow2.f32 v18  }
0x29e: {  	v9 =	vand.u32 $0x7FFFFFFF, v9;
	v13 =	vand.u32 $0x7FFFFFFF, v25;
	(erf) = vpow2.f32 v19  }
0x29f: {  	v22 =	vxor.u32 v16, v7;
	v19 =	vxor.u32 v29, v6;
	(erf) = vpow2.f32 v20  }
0x2a0: {  	v25 =	vxor.u32 v26, v11;
	v24 =	vxor.u32 v14, v8;
	v10 =	vxor.u32 v21, v10  }
0x2a1: {  	v30 =	vxor.u32 v32, v9;
	v31 =	vxor.u32 v27, v13;
	v29 =	vxor.u32 v28, v12;
	v6 =	vpop (erf)  }
0x2a2: {  	v11 =	vshrl.u32 v22, $0x14;
	v12 =	vshrl.u32 v24, $0x14;
	v16 =	vshrl.u32 v19, $0x14;
	v7 =	vpop (erf)  }
0x2a3: {  	v14 =	vshrl.u32 v25, $0x14;
	v13 =	vshrl.u32 v10, $0x14;
	v17 =	vshrl.u32 v29, $0x14;
	v8 =	vpop (erf)  }
0x2a4: {  	v23 =	vshrl.u32 v30, $0x14;
	v26 =	vshrl.u32 v31, $0x14;
	v15 =	vxor.u32 v3, v16;
	v9 =	vpop (erf)  }
.Ltmp11:
0x2a5: {  	v21 =	vxor.u32 v3, v11;
	v20 =	vxor.u32 v3, v12;
	v16 =	vxor.u32 v3, v13;
	v11 =	vpop (erf);
	(pc) =	sbr.rel @p0 .LBB2_24-.Ltmp11, $4  }
0x2a6: {  	v18 =	vxor.u32 v3, v14;
	v14 =	vxor.u32 v3, v23;
	v17 =	vxor.u32 v3, v17;
	v12 =	vpop (erf)  }
0x2a7: {  	v23 =	vshrl.u32 v22, $0x8;
	v27 =	vshrl.u32 v19, $0x8;
	v19 =	vxor.u32 v3, v26;
	v13 =	vpop (erf)  }
0x2a8: {  	v28 =	vshrl.u32 v24, $0x8;
	v24 =	vshrl.u32 v25, $0x8;
	v26 =	vshrl.u32 v10, $0x8;
	v10 =	vpop (erf)  }
0x2a9: {  	s15 =	sadd.s32 $0xA0, s15;
	s16 =	sadd.s32 $0xA0, s16;
	v22 =	vshrl.u32 v31, $0x8;
	v25 =	vshrl.u32 v30, $0x8;
	v29 =	vshrl.u32 v29, $0x8  }
0x2aa: {  	v5 =	vnsel vm0, $0x0, v5  }
0x2ab: {  	vm14 =	veq.s32 v15, $0x800;
	(xrf2) =	vadd.scan.msk.f32 $0xffff, v5  }
0x2ac: {  	vm1 =	veq.s32 v21, $0x800;
	v5 =	vand.u32 $0xFFF, v27  }
0x2ad: {  	vm2 =	veq.s32 v20, $0x800;
	v59 =	vand.u32 $0xFFF, v23  }
0x2ae: {  	vm3 =	veq.s32 v16, $0x800;
	v60 =	vand.u32 $0xFFF, v28  }
0x2af: {  	vm4 =	veq.s32 v18, $0x800;
	v61 =	vand.u32 $0xFFF, v26  }
0x2b0: {  	vm5 =	veq.s32 v17, $0x800;
	v62 =	vand.u32 $0xFFF, v24  }
0x2b1: {  	vm6 =	veq.s32 v14, $0x800;
	v63 =	vand.u32 $0xFFF, v29;
	[tilespmem:v5+s12+$0x0] =	vst.idx.add.f32.msk vm14, v6  }
0x2b2: {  	vm15 =	veq.s32 v19, $0x800;
	v5 =	vand.u32 $0xFFF, v25;
	[tilespmem:v59+s12+$0x0] =	vst.idx.add.f32.msk vm1, v7  }
0x2b3: {  	v6 =	vand.u32 $0xFFF, v22;
	[tilespmem:v60+s12+$0x0] =	vst.idx.add.f32.msk vm2, v8  }
0x2b4: {  	[tilespmem:v61+s12+$0x0] =	vst.idx.add.f32.msk vm3, v9  }
0x2b5: {  	[tilespmem:v62+s12+$0x0] =	vst.idx.add.f32.msk vm4, v11;
	v7, _, _ =	vpop (xrf2)  }
0x2b6: {  	[tilespmem:v63+s12+$0x0] =	vst.idx.add.f32.msk vm5, v12;
	v7 =	vbroadcast v7, $0xF  }
0x2b7: {  	[tilespmem:v5+s12+$0x0] =	vst.idx.add.f32.msk vm6, v13  }
0x2b8: {  	s14 =	simm.s32 $0x0;
	[tilespmem:v6+s12+$0x0] =	vst.idx.add.f32.msk vm15, v10;
	v4 =	vadd.f32 v7, v4  }
.LBB2_26:
0x2b9: {  	s15 =	sshll.u32 s14, $0x4  }
0x2ba: {  	s15 =	sand.u32 $0x3FFFFFF0, s15  }
0x2bb: {  	v5 =	vld [tilespmem:s15+$0x19700];
	_ =	sdelay $0x4  }
0x2bc: {  	(xrf2) =	vadd.scan.msk.f32 $0xffff, v5;
	_ =	sdelay $0x9  }
0x2bd: {  	v5, _, _ =	vpop (xrf2)  }
0x2be: {  	v5 =	vbroadcast v5, $0xF;
	_ =	sdelay $0x1  }
0x2bf: {  	v5 =	vadd.f32 v5, v4;
	_ =	sdelay $0x1  }
0x2c0: {  	vm0 =	vge.f32 v5, v2  }
0x2c1: {  	v6 =	vsel vm0, $0x3F800000, v0  }
0x2c2: {  	(xrf0) =	vmax.scan.msk.f32 $0xffff, v6;
	_ =	sdelay $0x5  }
0x2c3: {  	v6, _, _ =	vpop (xrf0)  }
0x2c4: {  	(v2sf) =	vpush v6, $0xF;
	_ =	sdelay $0xe  }
0x2c5: {  	s15 =	spop (v2sf)  }
0x2c6: {  	p0 =	sgt.f32 s15, $0.0e+00;
	_ =	sdelay $0x1  }
0x2c7: {  	s16 =	simm.s32 $0x1;
	p1 =	por !p0, !p0  }
0x2c8: {  	s16 =	simm.s32 @!p1 $0x0  }
0x2c9: {  	s14 =	sadd.s32 s16, s14  }
0x2ca: {  	p1 =	sgt.u32 s14, $0xFE  }
0x2cb: {  	p2 =	sgt.f32 @!p1 s15, $0.0e+00;
	_ =	sdelay $0x1  }
0x2cc: {  	p1 =	por p1, p2  }
.Ltmp12:
0x2cd: {  	_ = 	snop;
	(pc) =	sbr.rel @!p1 .LBB2_26-.Ltmp12, $2  }
0x2ce: {  	_ =	sdelay $0x2  }
0x2cf: {  	v4 =	vpsel p0, v4, v5  }
0x2d0: {  	s15 =	sshll.u32 s14, $0x4  }
0x2d1: {  	v5 =	vld [tilespmem:s15+$0x19700];
	_ =	sdelay $0x4  }
0x2d2: {  	(xrf2) =	vadd.scan.msk.f32 $0xffff, v5;
	_ =	sdelay $0x9  }
0x2d3: {  	v6, _, _ =	vpop (xrf2)  }
0x2d4: {  	v6 =	vadd.f32 v6, v4;
	_ =	sdelay $0x1  }
0x2d5: {  	vm0 =	vge.f32 v6, v2  }
0x2d6: {  	vm0 =	vmneg vm0  }
0x2d7: {  	v2 =	vnsel vm0, $0x0, v5  }
0x2d8: {  	(xrf2) =	vadd.scan.msk.f32 $0xffff, v2;
	_ =	sdelay $0x9  }
0x2d9: {  	s16 =	simm.s32 $0x0;
	s14 =	simm.s32 $0x50;
	v2, _, _ =	vpop (xrf2)  }
0x2da: {  	s16 =	sand.u32 $0x1FFE0, s16;
	v5 =	vld [tilespmem:s14+$0x40];
	v2 =	vbroadcast v2, $0xF  }
0x2db: {  	v7 =	vld [tilespmem:s16+$0x80];
	v6 =	vmpcnt.ones.xlane vm0  }
0x2dc: {  	v8 =	vld [tilespmem:s14+$0xFFFFFFC0];
	v2 =	vadd.f32 v2, v4  }
0x2dd: {  	v16 =	vld [tilespmem:s14+$0xFFFFFFD0];
	v4 =	vadd.s32 s15, v6  }
0x2de: {  	v17 =	vld [tilespmem:s14+$0xFFFFFFE0];
	v1 =	vsub.f32 v1, v2;
	v2 =	vshll.u32 v3, $0x14;
	v3 =	vshll.u32 v4, $0x8  }
0x2df: {  	v18 =	vld [tilespmem:s14+$0xFFFFFFF0];
	v2 =	vor.u32 v2, v3;
	v3 =	vmul.f32 $1.442695020e+00, v5  }
0x2e0: {  	v21 =	vld [tilespmem:s14+$0x0];
	v6 =	vmul.f32 $1.442695020e+00, v7;
	(erf) = vrcp.f32 v1  }
0x2e1: {  	v1 =	vxor.u32 $0x80000000, v2;
	v2 =	vld [tilespmem:s14+$0x10];
	(erf) = vpow2.f32 v3  }
0x2e2: {  	v9 =	vmul.f32 $1.442695020e+00, v8;
	(erf) = vpow2.f32 v6;
	v6 =	vld [tilespmem:s14+$0xFFFFFFB0]  }
0x2e3: {  	v12 =	vmul.f32 $1.442695020e+00, v17;
	v4 =	vld [tilespmem:s14+$0x20];
	v3 =	vmul.f32 $1.442695020e+00, v16  }
0x2e4: {  	(erf) = vpow2.f32 v9;
	v9 =	vmul.f32 $1.442695020e+00, v18  }
0x2e5: {  	(erf) = vpow2.f32 v3;
	v3 =	vmul.f32 $1.442695020e+00, v21  }
0x2e6: {  	(erf) = vpow2.f32 v12;
	v12 =	vmul.f32 $1.442695020e+00, v2  }
0x2e7: {  	(erf) = vpow2.f32 v9;
	v22 =	vmul.f32 $1.442695020e+00, v6  }
0x2e8: {  	v9 =	vmul.f32 $1.442695020e+00, v4;
	(erf) = vpow2.f32 v3  }
0x2e9: {  	v10 =	vshra.s32 v8, $0x1F;
	v11 =	vshra.s32 v16, $0x1F;
	(erf) = vpow2.f32 v12  }
0x2ea: {  	v13 =	vshra.s32 v17, $0x1F;
	v12 =	vshra.s32 v5, $0x1F;
	v3 =	vpop (erf);
	(erf) = vpow2.f32 v9  }
0x2eb: {  	v9 =	vshra.s32 v7, $0x1F;
	v12 =	vand.u32 $0x7FFFFFFF, v12;
	(erf) = vpow2.f32 v22;
	v22 =	vpop (erf)  }
0x2ec: {  	v9 =	vand.u32 $0x7FFFFFFF, v9;
	v5 =	vxor.u32 v5, v12;
	v12 =	vmul.f32 v22, v3;
	v22 =	vpop (erf)  }
0x2ed: {  	v14 =	vshra.s32 v18, $0x1F;
	v7 =	vxor.u32 v7, v9;
	v9 =	vmul.f32 v22, v3  }
0x2ee: {  	v15 =	vshra.s32 v21, $0x1F;
	v24 =	vand.u32 $0x7FFFFFFF, v11;
	v25 =	vand.u32 $0x7FFFFFFF, v13  }
0x2ef: {  	v27 =	vand.u32 $0x7FFFFFFF, v14;
	v19 =	vshra.s32 v2, $0x1F;
	vm15 =	vlt.s32 v5, v1;
	v5 =	vpop (erf)  }
0x2f0: {  	v28 =	vand.u32 $0x7FFFFFFF, v15;
	vm1 =	vlt.s32 v7, v1;
	v22 =	vand.u32 $0x7FFFFFFF, v10;
	v10 =	vpop (erf)  }
0x2f1: {  	v17 =	vxor.u32 v17, v25;
	v23 =	vshra.s32 v6, $0x1F;
	v26 =	vsel vm1, $0x0, v9;
	v9 =	vpop (erf)  }
0x2f2: {  	v23 =	vand.u32 $0x7FFFFFFF, v23;
	v7 =	vsel vm15, $0x0, v12;
	v12 =	vand.u32 $0x7FFFFFFF, v19;
	v19 =	vpop (erf)  }
0x2f3: {  	v16 =	vxor.u32 v16, v24;
	v14 =	vxor.u32 v6, v23;
	v11 =	vmul.f32 v5, v3;
	v6 =	vpop (erf)  }
0x2f4: {  	v15 =	vxor.u32 v8, v22;
	v5 =	vmul.f32 v10, v3;
	v10 =	vmul.f32 v9, v3;
	v8 =	vpop (erf)  }
0x2f5: {  	v20 =	vshra.s32 v4, $0x1F;
	v9 =	vmul.f32 v19, v3;
	v6 =	vmul.f32 v6, v3;
	v19 =	vpop (erf)  }
0x2f6: {  	v13 =	vand.u32 $0x7FFFFFFF, v20;
	[tilespmem:s14+$0x40] =	vst v7;
	v7 =	vmul.f32 v8, v3;
	v8 =	vmul.f32 v19, v3;
	v19 =	vpop (erf)  }
0x2f7: {  	s17 =	simm.s32 $0xF0;
	s15 =	simm.s32 $0x0;
	[tilespmem:s16+$0x80] =	vst v26;
	s16 =	simm.s32 $0xA0;
	v20 =	vmul.f32 v19, v3;
	v19 =	vxor.u32 v18, v27;
	v18 =	vxor.u32 v21, v28  }
.LBB2_28:
0x2f8: {  	s18 =	sand.u32 $0x1FFE0, s16;
	v21 =	vld [tilespmem:s17+$0x40];
	s15 =	sadd.s32 $0xA, s15;
	vm0 =	vlt.s32 v14, v1;
	v2 =	vxor.u32 v2, v12;
	v4 =	vxor.u32 v4, v13  }
0x2f9: {  	vm1 =	vlt.s32 v15, v1;
	vm2 =	vlt.s32 v16, v1;
	vm3 =	vlt.s32 v17, v1;
	v12 =	vld [tilespmem:s18+$0x80];
	p0 =	slt.u32 s15, $0x1860  }
0x2fa: {  	vm4 =	vlt.s32 v19, v1;
	vm5 =	vlt.s32 v18, v1;
	vm6 =	vlt.s32 v2, v1;
	v15 =	vld [tilespmem:s17+$0xFFFFFFC0]  }
0x2fb: {  	v2 =	vsel vm0, $0x0, v20;
	v11 =	vsel vm1, $0x0, v11;
	vm0 =	vlt.s32 v4, v1;
	v16 =	vld [tilespmem:s17+$0xFFFFFFD0]  }
0x2fc: {  	v4 =	vsel vm3, $0x0, v10;
	v17 =	vld [tilespmem:s17+$0xFFFFFFE0];
	[tilespmem:s14+$0xFFFFFFB0] =	vst v2;
	v2 =	vsel vm2, $0x0, v5;
	v5 =	vsel vm4, $0x0, v9  }
0x2fd: {  	v6 =	vsel vm5, $0x0, v6;
	v7 =	vsel vm6, $0x0, v7;
	v18 =	vld [tilespmem:s17+$0xFFFFFFF0];
	v9 =	vmul.f32 $1.442695020e+00, v21;
	[tilespmem:s14+$0xFFFFFFC0] =	vst v11  }
0x2fe: {  	v8 =	vsel vm0, $0x0, v8;
	v22 =	vld [tilespmem:s17+$0x0];
	v10 =	vmul.f32 $1.442695020e+00, v12;
	[tilespmem:s14+$0xFFFFFFD0] =	vst v2  }
0x2ff: {  	v11 =	vmul.f32 $1.442695020e+00, v15;
	v13 =	vshra.s32 v15, $0x1F;
	v2 =	vld [tilespmem:s17+$0x10];
	(erf) = vpow2.f32 v9;
	[tilespmem:s14+$0xFFFFFFE0] =	vst v4  }
0x300: {  	v9 =	vmul.f32 $1.442695020e+00, v16;
	v14 =	vshra.s32 v16, $0x1F;
	v4 =	vld [tilespmem:s17+$0x20];
	(erf) = vpow2.f32 v10;
	[tilespmem:s14+$0xFFFFFFF0] =	vst v5  }
0x301: {  	v10 =	vld [tilespmem:s17+$0xFFFFFFB0];
	v5 =	vmul.f32 $1.442695020e+00, v17;
	v19 =	vshra.s32 v17, $0x1F;
	(erf) = vpow2.f32 v11;
	[tilespmem:s14+$0x0] =	vst v6  }
0x302: {  	v6 =	vmul.f32 $1.442695020e+00, v18;
	v11 =	vshra.s32 v18, $0x1F;
	(erf) = vpow2.f32 v9;
	[tilespmem:s14+$0x10] =	vst v7  }
0x303: {  	v7 =	vmul.f32 $1.442695020e+00, v22;
	v9 =	vshra.s32 v22, $0x1F;
	(erf) = vpow2.f32 v5;
	[tilespmem:s14+$0x20] =	vst v8;
	s14 =	smov.u32 s17  }
0x304: {  	v5 =	vmul.f32 $1.442695020e+00, v2;
	v8 =	vshra.s32 v2, $0x1F;
	(erf) = vpow2.f32 v6  }
0x305: {  	v6 =	vmul.f32 $1.442695020e+00, v4;
	v20 =	vshra.s32 v4, $0x1F;
	(erf) = vpow2.f32 v7  }
0x306: {  	v24 =	vmul.f32 $1.442695020e+00, v10;
	v23 =	vshra.s32 v10, $0x1F;
	(erf) = vpow2.f32 v5  }
0x307: {  	v5 =	vshra.s32 v21, $0x1F;
	v23 =	vand.u32 $0x7FFFFFFF, v23;
	(erf) = vpow2.f32 v6  }
0x308: {  	v6 =	vshra.s32 v12, $0x1F;
	v26 =	vand.u32 $0x7FFFFFFF, v5;
	(erf) = vpow2.f32 v24;
	v7 =	vpop (erf)  }
0x309: {  	v6 =	vand.u32 $0x7FFFFFFF, v6;
	v24 =	vxor.u32 v21, v26;
	v25 =	vmul.f32 v7, v3;
	v21 =	vpop (erf)  }
0x30a: {  	v26 =	vxor.u32 v12, v6;
	vm0 =	vlt.s32 v24, v1;
	v12 =	vmul.f32 v21, v3;
	v5 =	vpop (erf)  }
0x30b: {  	v21 =	vand.u32 $0x7FFFFFFF, v13;
	vm1 =	vlt.s32 v26, v1;
	v25 =	vsel vm0, $0x0, v25;
	v7 =	vpop (erf)  }
0x30c: {  	v19 =	vand.u32 $0x7FFFFFFF, v19;
	v24 =	vand.u32 $0x7FFFFFFF, v14;
	v13 =	vsel vm1, $0x0, v12;
	[tilespmem:s17+$0x40] =	vst v25;
	v6 =	vpop (erf)  }
0x30d: {  	v26 =	vand.u32 $0x7FFFFFFF, v9;
	v25 =	vand.u32 $0x7FFFFFFF, v11;
	v12 =	vand.u32 $0x7FFFFFFF, v8;
	[tilespmem:s18+$0x80] =	vst v13;
	v8 =	vpop (erf)  }
.Ltmp13:
0x30e: {  	v11 =	vmul.f32 v5, v3;
	v5 =	vmul.f32 v7, v3;
	v13 =	vand.u32 $0x7FFFFFFF, v20;
	v7 =	vpop (erf);
	(pc) =	sbr.rel @p0 .LBB2_28-.Ltmp13, $4  }
0x30f: {  	v14 =	vxor.u32 v10, v23;
	v10 =	vmul.f32 v6, v3;
	v9 =	vmul.f32 v8, v3;
	v8 =	vpop (erf)  }
0x310: {  	v15 =	vxor.u32 v15, v21;
	v6 =	vmul.f32 v7, v3;
	v7 =	vmul.f32 v8, v3;
	v8 =	vpop (erf)  }
0x311: {  	v17 =	vxor.u32 v17, v19;
	v16 =	vxor.u32 v16, v24;
	v8 =	vmul.f32 v8, v3;
	v19 =	vpop (erf)  }
0x312: {  	s16 =	sadd.s32 $0xA0, s16;
	s17 =	sadd.s32 $0xA0, s17;
	v20 =	vmul.f32 v19, v3;
	v19 =	vxor.u32 v18, v25;
	v18 =	vxor.u32 v22, v26  }
0x313: {  	vm0 =	vlt.s32 v14, v1  }
0x314: {  	vm1 =	vlt.s32 v15, v1;
	v3 =	vsel vm0, $0x0, v20  }
0x315: {  	vm11 =	vlt.s32 v17, v1;
	v11 =	vsel vm1, $0x0, v11;
	[tilespmem:s14+$0xFFFFFFB0] =	vst v3  }
0x316: {  	v2 =	vxor.u32 v2, v12;
	vm13 =	vlt.s32 v18, v1;
	v63 =	vsel vm11, $0x0, v10;
	[tilespmem:s14+$0xFFFFFFC0] =	vst v11  }
0x317: {  	vm10 =	vlt.s32 v16, v1;
	vm14 =	vlt.s32 v2, v1;
	v2 =	vsel vm13, $0x0, v6;
	[tilespmem:s14+$0xFFFFFFE0] =	vst v63  }
0x318: {  	v4 =	vxor.u32 v4, v13;
	v3 =	vsel vm10, $0x0, v5;
	[tilespmem:s14+$0x0] =	vst v2  }
0x319: {  	vm12 =	vlt.s32 v19, v1;
	vm15 =	vlt.s32 v4, v1;
	v1 =	vsel vm14, $0x0, v7;
	[tilespmem:s14+$0xFFFFFFD0] =	vst v3  }
0x31a: {  	s13 =	sadd.s32 $0x1, s13;
	v2 =	vsel vm15, $0x0, v8;
	[tilespmem:s14+$0x10] =	vst v1  }
0x31b: {  	p0 =	sne.s32 s13, s7;
	v3 =	vsel vm12, $0x0, v9;
	[tilespmem:s14+$0x20] =	vst v2  }
.Ltmp14:
0x31c: {  	[tilespmem:s14+$0xFFFFFFF0] =	vst v3;
	(pc) =	sbr.rel @p0 .LBB2_1-.Ltmp14, $4  }
0x31d: {  	[hbm4b:s6+s8] =	stream.strided.scatter [tilespmem:s2], [sflag:$0x1], $0x18700, s9, s8, $0x38;
	[tilespmem:$0x1A700] =	vst v63  }
0x31e: {  	_ =	swait.ge [sflag:s10], $0x18700  }
0x31f: {  	[sflag:s10] =	ssyncset.done $0x0  }
0x320: {  	[sflag:s10] =	ssyncadd.s32 $0xFFFE7900  }
0x321: {  	_ =	sfence.sel $0x180000  }
0x322: {  	[bflag:$0x0] =	sbarrier.arrive $0xFFFF  }
0x323: {  	p0 =	sne.s32 s0, $0x0;
	_ =	strace $0x90000047  }
0x324: {  	s0 =	sadd.s32 @!p0 $0x100000, s1;
	[bflag:$0x2] =	sbarrier.arrive $0xFFFF  }
0x325: {  	[sflag:s0] =	ssyncadd.tile.s32 @!p0 $0x1;
	_ =	shalt  }
.Lfunc_end2:
_tile_overlayer_lowered:
.L_overlay_start_2:
0x326: {  	(tag) =	ssettag $0x2  }
0x327: {  	s0 =	rddreg [dreg:$0x0];
	s2 =	stileid.u32  }
0x328: {  	s1 =	rddreg [dreg:$0x1];
	p0 =	sne.s32 s2, $0x0  }
0x329: {  	s3 =	rddreg [dreg:$0x2];
	[bflag:$0x3] =	sbarrier.arrive $0xFFFF;
	s2 =	simm.s32 @!p0 $0x1C01  }
0x32a: {  	[timem:s3], [sflag:s2] =	dma.local @!p0 [hbm:s0], s1  }
0x32b: {  	s0 =	simm.s32 @!p0 $0x1  }
0x32c: {  	_ =	swait.ge @!p0 [sflag:s0], s1  }
0x32d: {  	s1 =	ssub.s32 @!p0 $0x0, s1;
	[sflag:s0] =	ssyncset.done @!p0 $0x0  }
0x32e: {  	[sflag:s0] =	ssyncadd.s32 @!p0 s1  }
0x32f: {  	[bflag:$0x3] =	sbarrier.arrive $0xFFFF  }
0x330: {  	_ =	shalt  }

</sc_bundles>
